<compile_context>
chip_gen: v7x
topology: tpu7x:2x2x1
jax: 0.10.2.dev20260603
libtpu: 0.0.44.dev20260713+nightly
codegen_flags: <defaults>
</compile_context>

<pallas_src>
import jax
import jax.numpy as jnp
from jax import lax
from jax.experimental import pallas as pl
from jax.experimental.pallas import tpu as pltpu
from jax.experimental.pallas import tpu_sc as plsc

_R = 8192
_C = 512

_R_SC = 512
_R_TC = _R - _R_SC

_W = 4
_BLK = 240

_NW = 32
_LANES = 16
_SC_ROWS = _R_SC // _NW
_SC_BR = 8
_SC_NB = _SC_ROWS // _SC_BR


def _tc_body(*refs):
    p_refs = refs[:_W]
    t_refs = refs[_W:2 * _W]
    out_ref = refs[2 * _W]
    err_acc, cnt_acc = refs[2 * _W + 1], refs[2 * _W + 2]
    i = pl.program_id(0)

    @pl.when(i == 0)
    def _init():
        err_acc[...] = jnp.zeros_like(err_acc)
        cnt_acc[...] = jnp.zeros_like(cnt_acc)

    e = jnp.zeros((1, _C), jnp.float32)
    c = jnp.zeros((1, _C), jnp.float32)
    for p_ref, t_ref in zip(p_refs, t_refs):
        p = p_ref[...]
        t = t_ref[...]
        valid = t > 0.0
        err = jnp.where(valid, jnp.abs(p - t), 0.0)
        cnt = jnp.where(valid, 1.0, 0.0)
        e += jnp.sum(err, axis=0, keepdims=True)
        c += jnp.sum(cnt, axis=0, keepdims=True)
    err_acc[...] += e
    cnt_acc[...] += c

    @pl.when(i == pl.num_programs(0) - 1)
    def _fini():
        out_ref[0, 0] = jnp.sum(err_acc[...])
        out_ref[0, 1] = jnp.sum(cnt_acc[...])


def _tc_partial(p, t):
    steps = _R_TC // _W // _BLK
    specs = [
        pl.BlockSpec((_BLK, _C), lambda i, w=w: (i + w * steps, 0))
        for w in range(_W)
    ]
    return pl.pallas_call(
        _tc_body,
        grid=(steps,),
        in_specs=specs + specs,
        out_specs=pl.BlockSpec(memory_space=pltpu.SMEM),
        out_shape=jax.ShapeDtypeStruct((1, 2), jnp.float32),
        scratch_shapes=[
            pltpu.VMEM((1, _C), jnp.float32),
            pltpu.VMEM((1, _C), jnp.float32),
        ],
    )(*([p] * _W + [t] * _W))


def _sc_kernel_body(p_hbm, t_hbm, out_hbm,
                    p0, t0, p1, t1, e_acc, c_acc, s_p0, s_t0, s_p1, s_t1):
    wid = lax.axis_index("s") * 2 + lax.axis_index("c")
    base = _R_TC + wid * _SC_ROWS

    bufs = ((p0, t0, s_p0, s_t0), (p1, t1, s_p1, s_t1))
    _NA = 4

    def start(b):
        pb, tb, sp, st = bufs[b % 2]
        rs = base + b * _SC_BR
        hp = pltpu.async_copy(p_hbm.at[pl.ds(rs, _SC_BR)], pb, sp)
        ht = pltpu.async_copy(t_hbm.at[pl.ds(rs, _SC_BR)], tb, st)
        return hp, ht

    def compute(b, accs):
        pb, tb, _, _ = bufs[b % 2]
        cb_per_row = _C // (_NA * _LANES)

        def body(i, carry):
            r = i // cb_per_row
            cb = (i - r * cb_per_row) * (_NA * _LANES)
            es = list(carry[:_NA])
            cs = list(carry[_NA:])
            for j in range(_NA):
                sl = pl.ds(cb + j * _LANES, _LANES)
                p = pb[r, sl]
                t = tb[r, sl]
                valid = t > 0.0
                es[j] = es[j] + jnp.where(valid, jnp.abs(p - t), 0.0)
                cs[j] = cs[j] + jnp.where(valid, 1.0, 0.0)
            return tuple(es) + tuple(cs)

        return lax.fori_loop(0, _SC_BR * cb_per_row, body, accs)

    zero = jnp.zeros((_LANES,), jnp.float32)
    accs = (zero,) * 8
    handles = start(0)
    for b in range(_SC_NB):
        nxt = start(b + 1) if b + 1 < _SC_NB else None
        handles[0].wait()
        handles[1].wait()
        accs = compute(b, accs)
        handles = nxt

    e_acc[...] = accs[0] + accs[1] + accs[2] + accs[3]
    c_acc[...] = accs[4] + accs[5] + accs[6] + accs[7]
    pltpu.sync_copy(e_acc, out_hbm.at[0, wid])
    pltpu.sync_copy(c_acc, out_hbm.at[1, wid])


def _sc_partial(p, t):
    mesh = plsc.VectorSubcoreMesh(core_axis_name="c", subcore_axis_name="s")
    k = pl.kernel(
        _sc_kernel_body,
        out_type=jax.ShapeDtypeStruct((2, _NW, _LANES), jnp.float32),
        mesh=mesh,
        compiler_params=pltpu.CompilerParams(use_tc_tiling_on_sc=True),
        scratch_types=[
            pltpu.VMEM((_SC_BR, _C), jnp.float32),
            pltpu.VMEM((_SC_BR, _C), jnp.float32),
            pltpu.VMEM((_SC_BR, _C), jnp.float32),
            pltpu.VMEM((_SC_BR, _C), jnp.float32),
            pltpu.VMEM((_LANES,), jnp.float32),
            pltpu.VMEM((_LANES,), jnp.float32),
            pltpu.SemaphoreType.DMA,
            pltpu.SemaphoreType.DMA,
            pltpu.SemaphoreType.DMA,
            pltpu.SemaphoreType.DMA,
        ],
    )
    return k(p, t)


def kernel(pred, target):
    p = pred.reshape(_R, _C)
    t = target.reshape(_R, _C)
    tc = _tc_partial(p, t)
    sc = _sc_partial(p, t)
    s = tc[0, 0] + jnp.sum(sc[0])
    n = tc[0, 1] + jnp.sum(sc[1])
    mae = s / jnp.maximum(n, 1.0)
    return jnp.where(n < 10.0, jnp.float32(-1.0), mae)

# --- scband reference (transcript-rebuilt; emitter-appended) ---
"""Pipeline reference for scband-mae-34291018891420 (READ-ONLY COPY).

The authoritative reference and input builder live on the scoring server;
editing this copy changes nothing except your own understanding.
"""

import jax, jax.numpy as jnp
import numpy as np

def setup_inputs(seed: int = 0) -> dict:
    key = jax.random.key(seed)
    k1, k2 = jax.random.split(key)
    pred = jax.random.normal(k1, (16, 1, 512, 512), dtype=jnp.float32)
    target = jax.random.uniform(k2, (16, 1, 512, 512), dtype=jnp.float32)
    return {"pred": pred, "target": target}

def reference(pred, target):
    # val_pixels = target > 0; masked MAE over valid pixels, -1 if < 10 valid
    mask = (target > 0).astype(pred.dtype)
    num_pixels = jnp.sum(mask)
    abs_err_sum = jnp.sum(jnp.abs(pred - target) * mask)
    mae = abs_err_sum / jnp.maximum(num_pixels, 1.0)
    return jnp.where(num_pixels < 10, jnp.float32(-1.0), mae)

if __name__ == "__main__":
    import jax
    _d = setup_inputs()
    print(jax.jit(kernel)(*tuple(_d.values())))

</pallas_src>

<mosaic_0001>
#map = affine_map<(d0, d1) -> (0, 0)>
#map1 = affine_map<(d0, d1) -> (0, 0, 0)>
module attributes {stable_mosaic.version = 14 : i64} {
  func.func @_sc_kernel_body(%arg0: i32, %arg1: i32, %arg2: memref<8192x512xf32, #tpu.memory_space<hbm>>, %arg3: memref<8192x512xf32, #tpu.memory_space<hbm>>, %arg4: memref<2x32x16xf32, #tpu.memory_space<hbm>>, %arg5: memref<8x512xf32, #tpu.memory_space<vmem>>, %arg6: memref<8x512xf32, #tpu.memory_space<vmem>>, %arg7: memref<8x512xf32, #tpu.memory_space<vmem>>, %arg8: memref<8x512xf32, #tpu.memory_space<vmem>>, %arg9: memref<16xf32, #tpu.memory_space<vmem>>, %arg10: memref<16xf32, #tpu.memory_space<vmem>>, %arg11: memref<!tpu.dma_semaphore, #tpu.memory_space<semaphore_mem>>, %arg12: memref<!tpu.dma_semaphore, #tpu.memory_space<semaphore_mem>>, %arg13: memref<!tpu.dma_semaphore, #tpu.memory_space<semaphore_mem>>, %arg14: memref<!tpu.dma_semaphore, #tpu.memory_space<semaphore_mem>>) attributes {dimension_semantics = [#tpu.dimension_semantics<core_parallel>, #tpu.dimension_semantics<subcore_parallel>], iteration_bounds = array<i64: 2, 16>, scalar_prefetch = 0 : i64, scratch_operands = 10 : i64, tpu.core_type = #tpu.core_type<sc_vector_subcore>, window_params = [{transform_indices = #map}, {transform_indices = #map}, {transform_indices = #map1}]} {
    %mul3A = arith.constant 2 : i32
    %mul3A_0 = arith.muli %arg1, %mul3A : i32
    %add3A = arith.addi %mul3A_0, %arg0 : i32
    %mul3A_1 = arith.constant 16 : i32
    %mul3A_2 = arith.muli %add3A, %mul3A_1 : i32
    %add3A_3 = arith.constant 7680 : i32
    %add3A_4 = arith.addi %add3A_3, %mul3A_2 : i32
    %broadcast_in_dim3A = arith.constant 0.000000e+00 : f32
    %broadcast_in_dim3A_5 = vector.broadcast %broadcast_in_dim3A : f32 to vector<16xf32>
    %add3A_6 = arith.constant 0 : i32
    %add3A_7 = arith.addi %add3A_4, %add3A_6 : i32
    %dma_start3A = arith.constant 0 : i32
    %dma_start3A_8 = tpu.memref_slice %arg2[%add3A_7, %dma_start3A] : memref<8192x512xf32, #tpu.memory_space<hbm>> -> memref<8x512xf32, #tpu.memory_space<hbm>>
    %dma_start3A_9 = arith.constant 0 : i32
    %dma_start3A_10 = tpu.memref_slice %arg2[%add3A_7, %dma_start3A_9] : memref<8192x512xf32, #tpu.memory_space<hbm>> -> memref<8x512xf32, #tpu.memory_space<hbm>>
    tpu.enqueue_dma source(%dma_start3A_10 : memref<8x512xf32, #tpu.memory_space<hbm>>) target(%arg5 : memref<8x512xf32, #tpu.memory_space<vmem>>) target_semaphore(%arg11 : memref<!tpu.dma_semaphore, #tpu.memory_space<semaphore_mem>>)
    %dma_start3A_11 = arith.constant 0 : i32
    %dma_start3A_12 = tpu.memref_slice %arg3[%add3A_7, %dma_start3A_11] : memref<8192x512xf32, #tpu.memory_space<hbm>> -> memref<8x512xf32, #tpu.memory_space<hbm>>
    %dma_start3A_13 = arith.constant 0 : i32
    %dma_start3A_14 = tpu.memref_slice %arg3[%add3A_7, %dma_start3A_13] : memref<8192x512xf32, #tpu.memory_space<hbm>> -> memref<8x512xf32, #tpu.memory_space<hbm>>
    tpu.enqueue_dma source(%dma_start3A_14 : memref<8x512xf32, #tpu.memory_space<hbm>>) target(%arg6 : memref<8x512xf32, #tpu.memory_space<vmem>>) target_semaphore(%arg12 : memref<!tpu.dma_semaphore, #tpu.memory_space<semaphore_mem>>)
    %add3A_15 = arith.constant 8 : i32
    %add3A_16 = arith.addi %add3A_4, %add3A_15 : i32
    %dma_start3A_17 = arith.constant 0 : i32
    %dma_start3A_18 = tpu.memref_slice %arg2[%add3A_16, %dma_start3A_17] : memref<8192x512xf32, #tpu.memory_space<hbm>> -> memref<8x512xf32, #tpu.memory_space<hbm>>
    %dma_start3A_19 = arith.constant 0 : i32
    %dma_start3A_20 = tpu.memref_slice %arg2[%add3A_16, %dma_start3A_19] : memref<8192x512xf32, #tpu.memory_space<hbm>> -> memref<8x512xf32, #tpu.memory_space<hbm>>
    tpu.enqueue_dma source(%dma_start3A_20 : memref<8x512xf32, #tpu.memory_space<hbm>>) target(%arg7 : memref<8x512xf32, #tpu.memory_space<vmem>>) target_semaphore(%arg13 : memref<!tpu.dma_semaphore, #tpu.memory_space<semaphore_mem>>)
    %dma_start3A_21 = arith.constant 0 : i32
    %dma_start3A_22 = tpu.memref_slice %arg3[%add3A_16, %dma_start3A_21] : memref<8192x512xf32, #tpu.memory_space<hbm>> -> memref<8x512xf32, #tpu.memory_space<hbm>>
    %dma_start3A_23 = arith.constant 0 : i32
    %dma_start3A_24 = tpu.memref_slice %arg3[%add3A_16, %dma_start3A_23] : memref<8192x512xf32, #tpu.memory_space<hbm>> -> memref<8x512xf32, #tpu.memory_space<hbm>>
    tpu.enqueue_dma source(%dma_start3A_24 : memref<8x512xf32, #tpu.memory_space<hbm>>) target(%arg8 : memref<8x512xf32, #tpu.memory_space<vmem>>) target_semaphore(%arg14 : memref<!tpu.dma_semaphore, #tpu.memory_space<semaphore_mem>>)
    %dma_wait3A = arith.constant 0 : i32
    %dma_wait3A_25 = tpu.memref_slice %arg2[%add3A_7, %dma_wait3A] : memref<8192x512xf32, #tpu.memory_space<hbm>> -> memref<8x512xf32, #tpu.memory_space<hbm>>
    %dma_wait3A_26 = arith.constant 0 : i32
    %dma_wait3A_27 = tpu.memref_slice %arg2[%add3A_7, %dma_wait3A_26] : memref<8192x512xf32, #tpu.memory_space<hbm>> -> memref<8x512xf32, #tpu.memory_space<hbm>>
    tpu.wait_dma2 semaphore(%arg11 : memref<!tpu.dma_semaphore, #tpu.memory_space<semaphore_mem>>) src(%dma_wait3A_27 : memref<8x512xf32, #tpu.memory_space<hbm>>) dst(%arg5 : memref<8x512xf32, #tpu.memory_space<vmem>>)
    %dma_wait3A_28 = arith.constant 0 : i32
    %dma_wait3A_29 = tpu.memref_slice %arg3[%add3A_7, %dma_wait3A_28] : memref<8192x512xf32, #tpu.memory_space<hbm>> -> memref<8x512xf32, #tpu.memory_space<hbm>>
    %dma_wait3A_30 = arith.constant 0 : i32
    %dma_wait3A_31 = tpu.memref_slice %arg3[%add3A_7, %dma_wait3A_30] : memref<8192x512xf32, #tpu.memory_space<hbm>> -> memref<8x512xf32, #tpu.memory_space<hbm>>
    tpu.wait_dma2 semaphore(%arg12 : memref<!tpu.dma_semaphore, #tpu.memory_space<semaphore_mem>>) src(%dma_wait3A_31 : memref<8x512xf32, #tpu.memory_space<hbm>>) dst(%arg6 : memref<8x512xf32, #tpu.memory_space<vmem>>)
    %scan3A = arith.constant 0 : i32
    %scan3A_32 = arith.constant 64 : i32
    %scan3A_33 = arith.addi %scan3A, %scan3A_32 : i32
    %scan3A_34 = arith.constant 1 : i32
    %scan3A_35:8 = scf.for %scan3A_65 = %scan3A to %scan3A_33 step %scan3A_34 iter_args(%scan3A_66 = %broadcast_in_dim3A_5, %scan3A_67 = %broadcast_in_dim3A_5, %scan3A_68 = %broadcast_in_dim3A_5, %scan3A_69 = %broadcast_in_dim3A_5, %scan3A_70 = %broadcast_in_dim3A_5, %scan3A_71 = %broadcast_in_dim3A_5, %scan3A_72 = %broadcast_in_dim3A_5, %scan3A_73 = %broadcast_in_dim3A_5) -> (vector<16xf32>, vector<16xf32>, vector<16xf32>, vector<16xf32>, vector<16xf32>, vector<16xf32>, vector<16xf32>, vector<16xf32>)  : i32 {
      %jit3A = arith.constant 8 : i32
      %div3A = arith.divsi %scan3A_65, %jit3A : i32
      %sign3A = arith.constant 0 : i32
      %sign3A_74 = arith.cmpi sgt, %scan3A_65, %sign3A : i32
      %sign3A_75 = arith.extui %sign3A_74 : i1 to i32
      %sign3A_76 = arith.constant 0 : i32
      %sign3A_77 = arith.cmpi slt, %scan3A_65, %sign3A_76 : i32
      %sign3A_78 = arith.extui %sign3A_77 : i1 to i32
      %sign3A_79 = arith.subi %sign3A_75, %sign3A_78 : i32
      %sign3A_80 = arith.constant 0 : i32
      %sign3A_81 = arith.cmpi sgt, %jit3A, %sign3A_80 : i32
      %sign3A_82 = arith.extui %sign3A_81 : i1 to i32
      %sign3A_83 = arith.constant 0 : i32
      %sign3A_84 = arith.cmpi slt, %jit3A, %sign3A_83 : i32
      %sign3A_85 = arith.extui %sign3A_84 : i1 to i32
      %sign3A_86 = arith.subi %sign3A_82, %sign3A_85 : i32
      %ne3A = arith.cmpi ne, %sign3A_79, %sign3A_86 : i32
      %rem3A = arith.remsi %scan3A_65, %jit3A : i32
      %ne3A_87 = arith.constant 0 : i32
      %ne3A_88 = arith.cmpi ne, %rem3A, %ne3A_87 : i32
      %and3A = arith.andi %ne3A, %ne3A_88 : i1
      %sub3A = arith.constant 1 : i32
      %sub3A_89 = arith.subi %div3A, %sub3A : i32
      %select_n3A = arith.select %and3A, %sub3A_89, %div3A : i32
      %mul3A_90 = arith.constant 8 : i32
      %mul3A_91 = arith.muli %select_n3A, %mul3A_90 : i32
      %sub3A_92 = arith.subi %scan3A_65, %mul3A_91 : i32
      %mul3A_93 = arith.constant 64 : i32
      %mul3A_94 = arith.muli %sub3A_92, %mul3A_93 : i32
      %add3A_95 = arith.constant 0 : i32
      %add3A_96 = arith.addi %mul3A_94, %add3A_95 : i32
      %get3A = arith.index_cast %select_n3A : i32 to index
      %get3A_97 = arith.index_cast %add3A_96 : i32 to index
      %get3A_98 = tpu.vector_load %arg5[%get3A, %get3A_97] {strides = array<i32>} : memref<8x512xf32, #tpu.memory_space<vmem>>, vector<1x16xf32>,
      %get3A_99 = vector.shape_cast %get3A_98 : vector<1x16xf32> to vector<16xf32>
      %get3A_100 = arith.index_cast %select_n3A : i32 to index
      %get3A_101 = arith.index_cast %add3A_96 : i32 to index
      %get3A_102 = tpu.vector_load %arg6[%get3A_100, %get3A_101] {strides = array<i32>} : memref<8x512xf32, #tpu.memory_space<vmem>>, vector<1x16xf32>,
      %get3A_103 = vector.shape_cast %get3A_102 : vector<1x16xf32> to vector<16xf32>
      %gt3A = arith.constant 0.000000e+00 : f32
      %gt3A_104 = vector.broadcast %gt3A : f32 to vector<16xf32>
      %gt3A_105 = arith.cmpf ogt, %get3A_103, %gt3A_104 : vector<16xf32>
      %sub3A_106 = arith.subf %get3A_99, %get3A_103 : vector<16xf32>
      %abs3A = math.absf %sub3A_106 : vector<16xf32>
      %jit3A_107 = arith.constant 0.000000e+00 : f32
      %broadcast_in_dim3A_108 = vector.broadcast %jit3A_107 : f32 to vector<16xf32>
      %select_n3A_109 = arith.select %gt3A_105, %abs3A, %broadcast_in_dim3A_108 : vector<16xi1>, vector<16xf32>
      %add3A_110 = arith.addf %scan3A_66, %select_n3A_109 : vector<16xf32>
      %jit3A_111 = arith.constant 1.000000e+00 : f32
      %jit3A_112 = arith.constant 0.000000e+00 : f32
      %broadcast_in_dim3A_113 = vector.broadcast %jit3A_111 : f32 to vector<16xf32>
      %broadcast_in_dim3A_114 = vector.broadcast %jit3A_112 : f32 to vector<16xf32>
      %select_n3A_115 = arith.select %gt3A_105, %broadcast_in_dim3A_113, %broadcast_in_dim3A_114 : vector<16xi1>, vector<16xf32>
      %add3A_116 = arith.addf %scan3A_70, %select_n3A_115 : vector<16xf32>
      %add3A_117 = arith.constant 16 : i32
      %add3A_118 = arith.addi %mul3A_94, %add3A_117 : i32
      %get3A_119 = arith.index_cast %select_n3A : i32 to index
      %get3A_120 = arith.index_cast %add3A_118 : i32 to index
      %get3A_121 = tpu.vector_load %arg5[%get3A_119, %get3A_120] {strides = array<i32>} : memref<8x512xf32, #tpu.memory_space<vmem>>, vector<1x16xf32>,
      %get3A_122 = vector.shape_cast %get3A_121 : vector<1x16xf32> to vector<16xf32>
      %get3A_123 = arith.index_cast %select_n3A : i32 to index
      %get3A_124 = arith.index_cast %add3A_118 : i32 to index
      %get3A_125 = tpu.vector_load %arg6[%get3A_123, %get3A_124] {strides = array<i32>} : memref<8x512xf32, #tpu.memory_space<vmem>>, vector<1x16xf32>,
      %get3A_126 = vector.shape_cast %get3A_125 : vector<1x16xf32> to vector<16xf32>
      %gt3A_127 = arith.constant 0.000000e+00 : f32
      %gt3A_128 = vector.broadcast %gt3A_127 : f32 to vector<16xf32>
      %gt3A_129 = arith.cmpf ogt, %get3A_126, %gt3A_128 : vector<16xf32>
      %sub3A_130 = arith.subf %get3A_122, %get3A_126 : vector<16xf32>
      %abs3A_131 = math.absf %sub3A_130 : vector<16xf32>
      %jit3A_132 = arith.constant 0.000000e+00 : f32
      %broadcast_in_dim3A_133 = vector.broadcast %jit3A_132 : f32 to vector<16xf32>
      %select_n3A_134 = arith.select %gt3A_129, %abs3A_131, %broadcast_in_dim3A_133 : vector<16xi1>, vector<16xf32>
      %add3A_135 = arith.addf %scan3A_67, %select_n3A_134 : vector<16xf32>
      %jit3A_136 = arith.constant 1.000000e+00 : f32
      %jit3A_137 = arith.constant 0.000000e+00 : f32
      %broadcast_in_dim3A_138 = vector.broadcast %jit3A_136 : f32 to vector<16xf32>
      %broadcast_in_dim3A_139 = vector.broadcast %jit3A_137 : f32 to vector<16xf32>
      %select_n3A_140 = arith.select %gt3A_129, %broadcast_in_dim3A_138, %broadcast_in_dim3A_139 : vector<16xi1>, vector<16xf32>
      %add3A_141 = arith.addf %scan3A_71, %select_n3A_140 : vector<16xf32>
      %add3A_142 = arith.constant 32 : i32
      %add3A_143 = arith.addi %mul3A_94, %add3A_142 : i32
      %get3A_144 = arith.index_cast %select_n3A : i32 to index
      %get3A_145 = arith.index_cast %add3A_143 : i32 to index
      %get3A_146 = tpu.vector_load %arg5[%get3A_144, %get3A_145] {strides = array<i32>} : memref<8x512xf32, #tpu.memory_space<vmem>>, vector<1x16xf32>,
      %get3A_147 = vector.shape_cast %get3A_146 : vector<1x16xf32> to vector<16xf32>
      %get3A_148 = arith.index_cast %select_n3A : i32 to index
      %get3A_149 = arith.index_cast %add3A_143 : i32 to index
      %get3A_150 = tpu.vector_load %arg6[%get3A_148, %get3A_149] {strides = array<i32>} : memref<8x512xf32, #tpu.memory_space<vmem>>, vector<1x16xf32>,
      %get3A_151 = vector.shape_cast %get3A_150 : vector<1x16xf32> to vector<16xf32>
      %gt3A_152 = arith.constant 0.000000e+00 : f32
      %gt3A_153 = vector.broadcast %gt3A_152 : f32 to vector<16xf32>
      %gt3A_154 = arith.cmpf ogt, %get3A_151, %gt3A_153 : vector<16xf32>
      %sub3A_155 = arith.subf %get3A_147, %get3A_151 : vector<16xf32>
      %abs3A_156 = math.absf %sub3A_155 : vector<16xf32>
      %jit3A_157 = arith.constant 0.000000e+00 : f32
      %broadcast_in_dim3A_158 = vector.broadcast %jit3A_157 : f32 to vector<16xf32>
      %select_n3A_159 = arith.select %gt3A_154, %abs3A_156, %broadcast_in_dim3A_158 : vector<16xi1>, vector<16xf32>
      %add3A_160 = arith.addf %scan3A_68, %select_n3A_159 : vector<16xf32>
      %jit3A_161 = arith.constant 1.000000e+00 : f32
      %jit3A_162 = arith.constant 0.000000e+00 : f32
      %broadcast_in_dim3A_163 = vector.broadcast %jit3A_161 : f32 to vector<16xf32>
      %broadcast_in_dim3A_164 = vector.broadcast %jit3A_162 : f32 to vector<16xf32>
      %select_n3A_165 = arith.select %gt3A_154, %broadcast_in_dim3A_163, %broadcast_in_dim3A_164 : vector<16xi1>, vector<16xf32>
      %add3A_166 = arith.addf %scan3A_72, %select_n3A_165 : vector<16xf32>
      %add3A_167 = arith.constant 48 : i32
      %add3A_168 = arith.addi %mul3A_94, %add3A_167 : i32
      %get3A_169 = arith.index_cast %select_n3A : i32 to index
      %get3A_170 = arith.index_cast %add3A_168 : i32 to index
      %get3A_171 = tpu.vector_load %arg5[%get3A_169, %get3A_170] {strides = array<i32>} : memref<8x512xf32, #tpu.memory_space<vmem>>, vector<1x16xf32>,
      %get3A_172 = vector.shape_cast %get3A_171 : vector<1x16xf32> to vector<16xf32>
      %get3A_173 = arith.index_cast %select_n3A : i32 to index
      %get3A_174 = arith.index_cast %add3A_168 : i32 to index
      %get3A_175 = tpu.vector_load %arg6[%get3A_173, %get3A_174] {strides = array<i32>} : memref<8x512xf32, #tpu.memory_space<vmem>>, vector<1x16xf32>,
      %get3A_176 = vector.shape_cast %get3A_175 : vector<1x16xf32> to vector<16xf32>
      %gt3A_177 = arith.constant 0.000000e+00 : f32
      %gt3A_178 = vector.broadcast %gt3A_177 : f32 to vector<16xf32>
      %gt3A_179 = arith.cmpf ogt, %get3A_176, %gt3A_178 : vector<16xf32>
      %sub3A_180 = arith.subf %get3A_172, %get3A_176 : vector<16xf32>
      %abs3A_181 = math.absf %sub3A_180 : vector<16xf32>
      %jit3A_182 = arith.constant 0.000000e+00 : f32
      %broadcast_in_dim3A_183 = vector.broadcast %jit3A_182 : f32 to vector<16xf32>
      %select_n3A_184 = arith.select %gt3A_179, %abs3A_181, %broadcast_in_dim3A_183 : vector<16xi1>, vector<16xf32>
      %add3A_185 = arith.addf %scan3A_69, %select_n3A_184 : vector<16xf32>
      %jit3A_186 = arith.constant 1.000000e+00 : f32
      %jit3A_187 = arith.constant 0.000000e+00 : f32
      %broadcast_in_dim3A_188 = vector.broadcast %jit3A_186 : f32 to vector<16xf32>
      %broadcast_in_dim3A_189 = vector.broadcast %jit3A_187 : f32 to vector<16xf32>
      %select_n3A_190 = arith.select %gt3A_179, %broadcast_in_dim3A_188, %broadcast_in_dim3A_189 : vector<16xi1>, vector<16xf32>
      %add3A_191 = arith.addf %scan3A_73, %select_n3A_190 : vector<16xf32>
      scf.yield %add3A_110, %add3A_135, %add3A_160, %add3A_185, %add3A_116, %add3A_141, %add3A_166, %add3A_191 : vector<16xf32>, vector<16xf32>, vector<16xf32>, vector<16xf32>, vector<16xf32>, vector<16xf32>, vector<16xf32>, vector<16xf32>
    }
    %scan3A_36 = arith.constant 64 : i32
    %dma_wait3A_37 = arith.constant 0 : i32
    %dma_wait3A_38 = tpu.memref_slice %arg2[%add3A_16, %dma_wait3A_37] : memref<8192x512xf32, #tpu.memory_space<hbm>> -> memref<8x512xf32, #tpu.memory_space<hbm>>
    %dma_wait3A_39 = arith.constant 0 : i32
    %dma_wait3A_40 = tpu.memref_slice %arg2[%add3A_16, %dma_wait3A_39] : memref<8192x512xf32, #tpu.memory_space<hbm>> -> memref<8x512xf32, #tpu.memory_space<hbm>>
    tpu.wait_dma2 semaphore(%arg13 : memref<!tpu.dma_semaphore, #tpu.memory_space<semaphore_mem>>) src(%dma_wait3A_40 : memref<8x512xf32, #tpu.memory_space<hbm>>) dst(%arg7 : memref<8x512xf32, #tpu.memory_space<vmem>>)
    %dma_wait3A_41 = arith.constant 0 : i32
    %dma_wait3A_42 = tpu.memref_slice %arg3[%add3A_16, %dma_wait3A_41] : memref<8192x512xf32, #tpu.memory_space<hbm>> -> memref<8x512xf32, #tpu.memory_space<hbm>>
    %dma_wait3A_43 = arith.constant 0 : i32
    %dma_wait3A_44 = tpu.memref_slice %arg3[%add3A_16, %dma_wait3A_43] : memref<8192x512xf32, #tpu.memory_space<hbm>> -> memref<8x512xf32, #tpu.memory_space<hbm>>
    tpu.wait_dma2 semaphore(%arg14 : memref<!tpu.dma_semaphore, #tpu.memory_space<semaphore_mem>>) src(%dma_wait3A_44 : memref<8x512xf32, #tpu.memory_space<hbm>>) dst(%arg8 : memref<8x512xf32, #tpu.memory_space<vmem>>)
    %scan3A_45 = arith.constant 0 : i32
    %scan3A_46 = arith.constant 64 : i32
    %scan3A_47 = arith.addi %scan3A_45, %scan3A_46 : i32
    %scan3A_48 = arith.constant 1 : i32
    %scan3A_49:8 = scf.for %scan3A_65 = %scan3A_45 to %scan3A_47 step %scan3A_48 iter_args(%scan3A_66 = %scan3A_35#0, %scan3A_67 = %scan3A_35#1, %scan3A_68 = %scan3A_35#2, %scan3A_69 = %scan3A_35#3, %scan3A_70 = %scan3A_35#4, %scan3A_71 = %scan3A_35#5, %scan3A_72 = %scan3A_35#6, %scan3A_73 = %scan3A_35#7) -> (vector<16xf32>, vector<16xf32>, vector<16xf32>, vector<16xf32>, vector<16xf32>, vector<16xf32>, vector<16xf32>, vector<16xf32>)  : i32 {
      %jit3A = arith.constant 8 : i32
      %div3A = arith.divsi %scan3A_65, %jit3A : i32
      %sign3A = arith.constant 0 : i32
      %sign3A_74 = arith.cmpi sgt, %scan3A_65, %sign3A : i32
      %sign3A_75 = arith.extui %sign3A_74 : i1 to i32
      %sign3A_76 = arith.constant 0 : i32
      %sign3A_77 = arith.cmpi slt, %scan3A_65, %sign3A_76 : i32
      %sign3A_78 = arith.extui %sign3A_77 : i1 to i32
      %sign3A_79 = arith.subi %sign3A_75, %sign3A_78 : i32
      %sign3A_80 = arith.constant 0 : i32
      %sign3A_81 = arith.cmpi sgt, %jit3A, %sign3A_80 : i32
      %sign3A_82 = arith.extui %sign3A_81 : i1 to i32
      %sign3A_83 = arith.constant 0 : i32
      %sign3A_84 = arith.cmpi slt, %jit3A, %sign3A_83 : i32
      %sign3A_85 = arith.extui %sign3A_84 : i1 to i32
      %sign3A_86 = arith.subi %sign3A_82, %sign3A_85 : i32
      %ne3A = arith.cmpi ne, %sign3A_79, %sign3A_86 : i32
      %rem3A = arith.remsi %scan3A_65, %jit3A : i32
      %ne3A_87 = arith.constant 0 : i32
      %ne3A_88 = arith.cmpi ne, %rem3A, %ne3A_87 : i32
      %and3A = arith.andi %ne3A, %ne3A_88 : i1
      %sub3A = arith.constant 1 : i32
      %sub3A_89 = arith.subi %div3A, %sub3A : i32
      %select_n3A = arith.select %and3A, %sub3A_89, %div3A : i32
      %mul3A_90 = arith.constant 8 : i32
      %mul3A_91 = arith.muli %select_n3A, %mul3A_90 : i32
      %sub3A_92 = arith.subi %scan3A_65, %mul3A_91 : i32
      %mul3A_93 = arith.constant 64 : i32
      %mul3A_94 = arith.muli %sub3A_92, %mul3A_93 : i32
      %add3A_95 = arith.constant 0 : i32
      %add3A_96 = arith.addi %mul3A_94, %add3A_95 : i32
      %get3A = arith.index_cast %select_n3A : i32 to index
      %get3A_97 = arith.index_cast %add3A_96 : i32 to index
      %get3A_98 = tpu.vector_load %arg7[%get3A, %get3A_97] {strides = array<i32>} : memref<8x512xf32, #tpu.memory_space<vmem>>, vector<1x16xf32>,
      %get3A_99 = vector.shape_cast %get3A_98 : vector<1x16xf32> to vector<16xf32>
      %get3A_100 = arith.index_cast %select_n3A : i32 to index
      %get3A_101 = arith.index_cast %add3A_96 : i32 to index
      %get3A_102 = tpu.vector_load %arg8[%get3A_100, %get3A_101] {strides = array<i32>} : memref<8x512xf32, #tpu.memory_space<vmem>>, vector<1x16xf32>,
      %get3A_103 = vector.shape_cast %get3A_102 : vector<1x16xf32> to vector<16xf32>
      %gt3A = arith.constant 0.000000e+00 : f32
      %gt3A_104 = vector.broadcast %gt3A : f32 to vector<16xf32>
      %gt3A_105 = arith.cmpf ogt, %get3A_103, %gt3A_104 : vector<16xf32>
      %sub3A_106 = arith.subf %get3A_99, %get3A_103 : vector<16xf32>
      %abs3A = math.absf %sub3A_106 : vector<16xf32>
      %jit3A_107 = arith.constant 0.000000e+00 : f32
      %broadcast_in_dim3A_108 = vector.broadcast %jit3A_107 : f32 to vector<16xf32>
      %select_n3A_109 = arith.select %gt3A_105, %abs3A, %broadcast_in_dim3A_108 : vector<16xi1>, vector<16xf32>
      %add3A_110 = arith.addf %scan3A_66, %select_n3A_109 : vector<16xf32>
      %jit3A_111 = arith.constant 1.000000e+00 : f32
      %jit3A_112 = arith.constant 0.000000e+00 : f32
      %broadcast_in_dim3A_113 = vector.broadcast %jit3A_111 : f32 to vector<16xf32>
      %broadcast_in_dim3A_114 = vector.broadcast %jit3A_112 : f32 to vector<16xf32>
      %select_n3A_115 = arith.select %gt3A_105, %broadcast_in_dim3A_113, %broadcast_in_dim3A_114 : vector<16xi1>, vector<16xf32>
      %add3A_116 = arith.addf %scan3A_70, %select_n3A_115 : vector<16xf32>
      %add3A_117 = arith.constant 16 : i32
      %add3A_118 = arith.addi %mul3A_94, %add3A_117 : i32
      %get3A_119 = arith.index_cast %select_n3A : i32 to index
      %get3A_120 = arith.index_cast %add3A_118 : i32 to index
      %get3A_121 = tpu.vector_load %arg7[%get3A_119, %get3A_120] {strides = array<i32>} : memref<8x512xf32, #tpu.memory_space<vmem>>, vector<1x16xf32>,
      %get3A_122 = vector.shape_cast %get3A_121 : vector<1x16xf32> to vector<16xf32>
      %get3A_123 = arith.index_cast %select_n3A : i32 to index
      %get3A_124 = arith.index_cast %add3A_118 : i32 to index
      %get3A_125 = tpu.vector_load %arg8[%get3A_123, %get3A_124] {strides = array<i32>} : memref<8x512xf32, #tpu.memory_space<vmem>>, vector<1x16xf32>,
      %get3A_126 = vector.shape_cast %get3A_125 : vector<1x16xf32> to vector<16xf32>
      %gt3A_127 = arith.constant 0.000000e+00 : f32
      %gt3A_128 = vector.broadcast %gt3A_127 : f32 to vector<16xf32>
      %gt3A_129 = arith.cmpf ogt, %get3A_126, %gt3A_128 : vector<16xf32>
      %sub3A_130 = arith.subf %get3A_122, %get3A_126 : vector<16xf32>
      %abs3A_131 = math.absf %sub3A_130 : vector<16xf32>
      %jit3A_132 = arith.constant 0.000000e+00 : f32
      %broadcast_in_dim3A_133 = vector.broadcast %jit3A_132 : f32 to vector<16xf32>
      %select_n3A_134 = arith.select %gt3A_129, %abs3A_131, %broadcast_in_dim3A_133 : vector<16xi1>, vector<16xf32>
      %add3A_135 = arith.addf %scan3A_67, %select_n3A_134 : vector<16xf32>
      %jit3A_136 = arith.constant 1.000000e+00 : f32
      %jit3A_137 = arith.constant 0.000000e+00 : f32
      %broadcast_in_dim3A_138 = vector.broadcast %jit3A_136 : f32 to vector<16xf32>
      %broadcast_in_dim3A_139 = vector.broadcast %jit3A_137 : f32 to vector<16xf32>
      %select_n3A_140 = arith.select %gt3A_129, %broadcast_in_dim3A_138, %broadcast_in_dim3A_139 : vector<16xi1>, vector<16xf32>
      %add3A_141 = arith.addf %scan3A_71, %select_n3A_140 : vector<16xf32>
      %add3A_142 = arith.constant 32 : i32
      %add3A_143 = arith.addi %mul3A_94, %add3A_142 : i32
      %get3A_144 = arith.index_cast %select_n3A : i32 to index
      %get3A_145 = arith.index_cast %add3A_143 : i32 to index
      %get3A_146 = tpu.vector_load %arg7[%get3A_144, %get3A_145] {strides = array<i32>} : memref<8x512xf32, #tpu.memory_space<vmem>>, vector<1x16xf32>,
      %get3A_147 = vector.shape_cast %get3A_146 : vector<1x16xf32> to vector<16xf32>
      %get3A_148 = arith.index_cast %select_n3A : i32 to index
      %get3A_149 = arith.index_cast %add3A_143 : i32 to index
      %get3A_150 = tpu.vector_load %arg8[%get3A_148, %get3A_149] {strides = array<i32>} : memref<8x512xf32, #tpu.memory_space<vmem>>, vector<1x16xf32>,
      %get3A_151 = vector.shape_cast %get3A_150 : vector<1x16xf32> to vector<16xf32>
      %gt3A_152 = arith.constant 0.000000e+00 : f32
      %gt3A_153 = vector.broadcast %gt3A_152 : f32 to vector<16xf32>
      %gt3A_154 = arith.cmpf ogt, %get3A_151, %gt3A_153 : vector<16xf32>
      %sub3A_155 = arith.subf %get3A_147, %get3A_151 : vector<16xf32>
      %abs3A_156 = math.absf %sub3A_155 : vector<16xf32>
      %jit3A_157 = arith.constant 0.000000e+00 : f32
      %broadcast_in_dim3A_158 = vector.broadcast %jit3A_157 : f32 to vector<16xf32>
      %select_n3A_159 = arith.select %gt3A_154, %abs3A_156, %broadcast_in_dim3A_158 : vector<16xi1>, vector<16xf32>
      %add3A_160 = arith.addf %scan3A_68, %select_n3A_159 : vector<16xf32>
      %jit3A_161 = arith.constant 1.000000e+00 : f32
      %jit3A_162 = arith.constant 0.000000e+00 : f32
      %broadcast_in_dim3A_163 = vector.broadcast %jit3A_161 : f32 to vector<16xf32>
      %broadcast_in_dim3A_164 = vector.broadcast %jit3A_162 : f32 to vector<16xf32>
      %select_n3A_165 = arith.select %gt3A_154, %broadcast_in_dim3A_163, %broadcast_in_dim3A_164 : vector<16xi1>, vector<16xf32>
      %add3A_166 = arith.addf %scan3A_72, %select_n3A_165 : vector<16xf32>
      %add3A_167 = arith.constant 48 : i32
      %add3A_168 = arith.addi %mul3A_94, %add3A_167 : i32
      %get3A_169 = arith.index_cast %select_n3A : i32 to index
      %get3A_170 = arith.index_cast %add3A_168 : i32 to index
      %get3A_171 = tpu.vector_load %arg7[%get3A_169, %get3A_170] {strides = array<i32>} : memref<8x512xf32, #tpu.memory_space<vmem>>, vector<1x16xf32>,
      %get3A_172 = vector.shape_cast %get3A_171 : vector<1x16xf32> to vector<16xf32>
      %get3A_173 = arith.index_cast %select_n3A : i32 to index
      %get3A_174 = arith.index_cast %add3A_168 : i32 to index
      %get3A_175 = tpu.vector_load %arg8[%get3A_173, %get3A_174] {strides = array<i32>} : memref<8x512xf32, #tpu.memory_space<vmem>>, vector<1x16xf32>,
      %get3A_176 = vector.shape_cast %get3A_175 : vector<1x16xf32> to vector<16xf32>
      %gt3A_177 = arith.constant 0.000000e+00 : f32
      %gt3A_178 = vector.broadcast %gt3A_177 : f32 to vector<16xf32>
      %gt3A_179 = arith.cmpf ogt, %get3A_176, %gt3A_178 : vector<16xf32>
      %sub3A_180 = arith.subf %get3A_172, %get3A_176 : vector<16xf32>
      %abs3A_181 = math.absf %sub3A_180 : vector<16xf32>
      %jit3A_182 = arith.constant 0.000000e+00 : f32
      %broadcast_in_dim3A_183 = vector.broadcast %jit3A_182 : f32 to vector<16xf32>
      %select_n3A_184 = arith.select %gt3A_179, %abs3A_181, %broadcast_in_dim3A_183 : vector<16xi1>, vector<16xf32>
      %add3A_185 = arith.addf %scan3A_69, %select_n3A_184 : vector<16xf32>
      %jit3A_186 = arith.constant 1.000000e+00 : f32
      %jit3A_187 = arith.constant 0.000000e+00 : f32
      %broadcast_in_dim3A_188 = vector.broadcast %jit3A_186 : f32 to vector<16xf32>
      %broadcast_in_dim3A_189 = vector.broadcast %jit3A_187 : f32 to vector<16xf32>
      %select_n3A_190 = arith.select %gt3A_179, %broadcast_in_dim3A_188, %broadcast_in_dim3A_189 : vector<16xi1>, vector<16xf32>
      %add3A_191 = arith.addf %scan3A_73, %select_n3A_190 : vector<16xf32>
      scf.yield %add3A_110, %add3A_135, %add3A_160, %add3A_185, %add3A_116, %add3A_141, %add3A_166, %add3A_191 : vector<16xf32>, vector<16xf32>, vector<16xf32>, vector<16xf32>, vector<16xf32>, vector<16xf32>, vector<16xf32>, vector<16xf32>
    }
    %scan3A_50 = arith.constant 64 : i32
    %add3A_51 = arith.addf %scan3A_49#0, %scan3A_49#1 : vector<16xf32>
    %add3A_52 = arith.addf %add3A_51, %scan3A_49#2 : vector<16xf32>
    %add3A_53 = arith.addf %add3A_52, %scan3A_49#3 : vector<16xf32>
    %swap3A = arith.constant 0 : index
    %swap3A_54 = tpu.vector_load %arg9[%swap3A] {strides = array<i32>} : memref<16xf32, #tpu.memory_space<vmem>>, vector<16xf32>,
    %swap3A_55 = vector.shape_cast %swap3A_54 : vector<16xf32> to vector<16xf32>
    %swap3A_56 = vector.shape_cast %add3A_53 : vector<16xf32> to vector<16xf32>
    tpu.vector_store %arg9[%swap3A], %swap3A_56 {strides = array<i32>} : memref<16xf32, #tpu.memory_space<vmem>>, vector<16xf32>,
    %add3A_57 = arith.addf %scan3A_49#4, %scan3A_49#5 : vector<16xf32>
    %add3A_58 = arith.addf %add3A_57, %scan3A_49#6 : vector<16xf32>
    %add3A_59 = arith.addf %add3A_58, %scan3A_49#7 : vector<16xf32>
    %swap3A_60 = arith.constant 0 : index
    %swap3A_61 = tpu.vector_load %arg10[%swap3A_60] {strides = array<i32>} : memref<16xf32, #tpu.memory_space<vmem>>, vector<16xf32>,
    %swap3A_62 = vector.shape_cast %swap3A_61 : vector<16xf32> to vector<16xf32>
    %swap3A_63 = vector.shape_cast %add3A_59 : vector<16xf32> to vector<16xf32>
    tpu.vector_store %arg10[%swap3A_60], %swap3A_63 {strides = array<i32>} : memref<16xf32, #tpu.memory_space<vmem>>, vector<16xf32>,
    %run_scoped3A = arith.constant 0 : i32
    "tpu.region"() ({
      %run_scoped3A_65 = tpu.sem_alloc : memref<!tpu.dma_semaphore, #tpu.memory_space<semaphore_mem>>
      %dma_start3A_66 = arith.constant 0 : i32
      %dma_start3A_67 = tpu.memref_slice %arg4[%run_scoped3A, %add3A, %dma_start3A_66] : memref<2x32x16xf32, #tpu.memory_space<hbm>> -> memref<1x1x16xf32, #tpu.memory_space<hbm>>
      %dma_start3A_68 = tpu.memref_squeeze %dma_start3A_67 : memref<1x1x16xf32, #tpu.memory_space<hbm>> -> memref<16xf32, #tpu.memory_space<hbm>>
      %dma_start3A_69 = arith.constant 0 : i32
      %dma_start3A_70 = tpu.memref_slice %arg4[%run_scoped3A, %add3A, %dma_start3A_69] : memref<2x32x16xf32, #tpu.memory_space<hbm>> -> memref<1x1x16xf32, #tpu.memory_space<hbm>>
      %dma_start3A_71 = tpu.memref_squeeze %dma_start3A_70 : memref<1x1x16xf32, #tpu.memory_space<hbm>> -> memref<16xf32, #tpu.memory_space<hbm>>
      tpu.enqueue_dma source(%arg9 : memref<16xf32, #tpu.memory_space<vmem>>) target(%dma_start3A_71 : memref<16xf32, #tpu.memory_space<hbm>>) target_semaphore(%run_scoped3A_65 : memref<!tpu.dma_semaphore, #tpu.memory_space<semaphore_mem>>)
      %dma_wait3A_72 = arith.constant 0 : i32
      %dma_wait3A_73 = tpu.memref_slice %arg4[%run_scoped3A, %add3A, %dma_wait3A_72] : memref<2x32x16xf32, #tpu.memory_space<hbm>> -> memref<1x1x16xf32, #tpu.memory_space<hbm>>
      %dma_wait3A_74 = tpu.memref_squeeze %dma_wait3A_73 : memref<1x1x16xf32, #tpu.memory_space<hbm>> -> memref<16xf32, #tpu.memory_space<hbm>>
      %dma_wait3A_75 = arith.constant 0 : i32
      %dma_wait3A_76 = tpu.memref_slice %arg4[%run_scoped3A, %add3A, %dma_wait3A_75] : memref<2x32x16xf32, #tpu.memory_space<hbm>> -> memref<1x1x16xf32, #tpu.memory_space<hbm>>
      %dma_wait3A_77 = tpu.memref_squeeze %dma_wait3A_76 : memref<1x1x16xf32, #tpu.memory_space<hbm>> -> memref<16xf32, #tpu.memory_space<hbm>>
      tpu.wait_dma2 semaphore(%run_scoped3A_65 : memref<!tpu.dma_semaphore, #tpu.memory_space<semaphore_mem>>) src(%arg9 : memref<16xf32, #tpu.memory_space<vmem>>) dst(%dma_wait3A_77 : memref<16xf32, #tpu.memory_space<hbm>>)
      tpu.yield
    }) : () -> ()
    %run_scoped3A_64 = arith.constant 1 : i32
    "tpu.region"() ({
      %run_scoped3A_65 = tpu.sem_alloc : memref<!tpu.dma_semaphore, #tpu.memory_space<semaphore_mem>>
      %dma_start3A_66 = arith.constant 0 : i32
      %dma_start3A_67 = tpu.memref_slice %arg4[%run_scoped3A_64, %add3A, %dma_start3A_66] : memref<2x32x16xf32, #tpu.memory_space<hbm>> -> memref<1x1x16xf32, #tpu.memory_space<hbm>>
      %dma_start3A_68 = tpu.memref_squeeze %dma_start3A_67 : memref<1x1x16xf32, #tpu.memory_space<hbm>> -> memref<16xf32, #tpu.memory_space<hbm>>
      %dma_start3A_69 = arith.constant 0 : i32
      %dma_start3A_70 = tpu.memref_slice %arg4[%run_scoped3A_64, %add3A, %dma_start3A_69] : memref<2x32x16xf32, #tpu.memory_space<hbm>> -> memref<1x1x16xf32, #tpu.memory_space<hbm>>
      %dma_start3A_71 = tpu.memref_squeeze %dma_start3A_70 : memref<1x1x16xf32, #tpu.memory_space<hbm>> -> memref<16xf32, #tpu.memory_space<hbm>>
      tpu.enqueue_dma source(%arg10 : memref<16xf32, #tpu.memory_space<vmem>>) target(%dma_start3A_71 : memref<16xf32, #tpu.memory_space<hbm>>) target_semaphore(%run_scoped3A_65 : memref<!tpu.dma_semaphore, #tpu.memory_space<semaphore_mem>>)
      %dma_wait3A_72 = arith.constant 0 : i32
      %dma_wait3A_73 = tpu.memref_slice %arg4[%run_scoped3A_64, %add3A, %dma_wait3A_72] : memref<2x32x16xf32, #tpu.memory_space<hbm>> -> memref<1x1x16xf32, #tpu.memory_space<hbm>>
      %dma_wait3A_74 = tpu.memref_squeeze %dma_wait3A_73 : memref<1x1x16xf32, #tpu.memory_space<hbm>> -> memref<16xf32, #tpu.memory_space<hbm>>
      %dma_wait3A_75 = arith.constant 0 : i32
      %dma_wait3A_76 = tpu.memref_slice %arg4[%run_scoped3A_64, %add3A, %dma_wait3A_75] : memref<2x32x16xf32, #tpu.memory_space<hbm>> -> memref<1x1x16xf32, #tpu.memory_space<hbm>>
      %dma_wait3A_77 = tpu.memref_squeeze %dma_wait3A_76 : memref<1x1x16xf32, #tpu.memory_space<hbm>> -> memref<16xf32, #tpu.memory_space<hbm>>
      tpu.wait_dma2 semaphore(%run_scoped3A_65 : memref<!tpu.dma_semaphore, #tpu.memory_space<semaphore_mem>>) src(%arg10 : memref<16xf32, #tpu.memory_space<vmem>>) dst(%dma_wait3A_77 : memref<16xf32, #tpu.memory_space<hbm>>)
      tpu.yield
    }) : () -> ()
    return
  }
}

module attributes {stable_mosaic.version = 14 : i64} {
  func.func @_tc_body(%arg0: i32, %arg1: memref<240x512xf32, #tpu.memory_space<vmem>>, %arg2: memref<240x512xf32, #tpu.memory_space<vmem>>, %arg3: memref<240x512xf32, #tpu.memory_space<vmem>>, %arg4: memref<240x512xf32, #tpu.memory_space<vmem>>, %arg5: memref<240x512xf32, #tpu.memory_space<vmem>>, %arg6: memref<240x512xf32, #tpu.memory_space<vmem>>, %arg7: memref<240x512xf32, #tpu.memory_space<vmem>>, %arg8: memref<240x512xf32, #tpu.memory_space<vmem>>, %arg9: memref<1x2xf32, #tpu.memory_space<smem>>, %arg10: memref<1x512xf32, #tpu.memory_space<vmem>>, %arg11: memref<1x512xf32, #tpu.memory_space<vmem>>) attributes {dimension_semantics = [#tpu.dimension_semantics<arbitrary>], iteration_bounds = array<i64: 8>, scalar_prefetch = 0 : i64, scratch_operands = 2 : i64, tpu.core_type = #tpu.core_type<tc>, window_params = [{transform_indices = @transform_0, window_bounds = array<i64: 240, 512>}, {transform_indices = @transform_1, window_bounds = array<i64: 240, 512>}, {transform_indices = @transform_2, window_bounds = array<i64: 240, 512>}, {transform_indices = @transform_3, window_bounds = array<i64: 240, 512>}, {transform_indices = @transform_4, window_bounds = array<i64: 240, 512>}, {transform_indices = @transform_5, window_bounds = array<i64: 240, 512>}, {transform_indices = @transform_6, window_bounds = array<i64: 240, 512>}, {transform_indices = @transform_7, window_bounds = array<i64: 240, 512>}, {transform_indices = @transform_8, window_bounds = array<i64: 1, 2>}]} {
    %eq3A = arith.constant 0 : i32
    %eq3A_0 = arith.cmpi eq, %arg0, %eq3A : i32
    %convert_element_type3A = arith.extui %eq3A_0 : i1 to i32
    %cond3A = arith.constant 0 : i32
    %cond3A_1 = arith.cmpi ne, %convert_element_type3A, %cond3A : i32
    scf.if %cond3A_1 {
      %broadcast_in_dim3A_123 = arith.constant 0.000000e+00 : f32
      %broadcast_in_dim3A_124 = vector.broadcast %broadcast_in_dim3A_123 : f32 to vector<1x512xf32>
      %swap3A_125 = arith.constant 0 : index
      %swap3A_126 = arith.constant 0 : index
      %swap3A_127 = vector.load %arg10[%swap3A_125, %swap3A_126] : memref<1x512xf32, #tpu.memory_space<vmem>>, vector<1x512xf32>
      tpu.vector_store %arg10[%swap3A_125, %swap3A_126], %broadcast_in_dim3A_124 {strides = array<i32>} : memref<1x512xf32, #tpu.memory_space<vmem>>, vector<1x512xf32>,
      %broadcast_in_dim3A_128 = arith.constant 0.000000e+00 : f32
      %broadcast_in_dim3A_129 = vector.broadcast %broadcast_in_dim3A_128 : f32 to vector<1x512xf32>
      %swap3A_130 = arith.constant 0 : index
      %swap3A_131 = arith.constant 0 : index
      %swap3A_132 = vector.load %arg11[%swap3A_130, %swap3A_131] : memref<1x512xf32, #tpu.memory_space<vmem>>, vector<1x512xf32>
      tpu.vector_store %arg11[%swap3A_130, %swap3A_131], %broadcast_in_dim3A_129 {strides = array<i32>} : memref<1x512xf32, #tpu.memory_space<vmem>>, vector<1x512xf32>,
    } else {
    }
    %broadcast_in_dim3A = arith.constant 0.000000e+00 : f32
    %broadcast_in_dim3A_2 = vector.broadcast %broadcast_in_dim3A : f32 to vector<1x512xf32>
    %broadcast_in_dim3A_3 = arith.constant 0.000000e+00 : f32
    %broadcast_in_dim3A_4 = vector.broadcast %broadcast_in_dim3A_3 : f32 to vector<1x512xf32>
    %get3A = arith.constant 0 : index
    %get3A_5 = arith.constant 0 : index
    %get3A_6 = vector.load %arg1[%get3A, %get3A_5] : memref<240x512xf32, #tpu.memory_space<vmem>>, vector<240x512xf32>
    %get3A_7 = arith.constant 0 : index
    %get3A_8 = arith.constant 0 : index
    %get3A_9 = vector.load %arg5[%get3A_7, %get3A_8] : memref<240x512xf32, #tpu.memory_space<vmem>>, vector<240x512xf32>
    %gt3A = arith.constant 0.000000e+00 : f32
    %gt3A_10 = vector.broadcast %gt3A : f32 to vector<240x512xf32>
    %gt3A_11 = arith.cmpf ogt, %get3A_9, %gt3A_10 : vector<240x512xf32>
    %sub3A = arith.subf %get3A_6, %get3A_9 : vector<240x512xf32>
    %abs3A = math.absf %sub3A : vector<240x512xf32>
    %jit3A = arith.constant 0.000000e+00 : f32
    %broadcast_in_dim3A_12 = vector.broadcast %jit3A : f32 to vector<240x512xf32>
    %select_n3A = arith.select %gt3A_11, %abs3A, %broadcast_in_dim3A_12 : vector<240x512xi1>, vector<240x512xf32>
    %jit3A_13 = arith.constant 1.000000e+00 : f32
    %jit3A_14 = arith.constant 0.000000e+00 : f32
    %broadcast_in_dim3A_15 = vector.broadcast %jit3A_13 : f32 to vector<240x512xf32>
    %broadcast_in_dim3A_16 = vector.broadcast %jit3A_14 : f32 to vector<240x512xf32>
    %select_n3A_17 = arith.select %gt3A_11, %broadcast_in_dim3A_15, %broadcast_in_dim3A_16 : vector<240x512xi1>, vector<240x512xf32>
    %reduce_sum3A = arith.constant dense<0.000000e+00> : vector<512xf32>
    %reduce_sum3A_18 = vector.multi_reduction <add>, %select_n3A, %reduce_sum3A [0] : vector<240x512xf32> to vector<512xf32>
    %broadcast_in_dim3A_19 = vector.shape_cast %reduce_sum3A_18 : vector<512xf32> to vector<1x512xf32>
    %add3A = arith.addf %broadcast_in_dim3A_2, %broadcast_in_dim3A_19 : vector<1x512xf32>
    %reduce_sum3A_20 = arith.constant dense<0.000000e+00> : vector<512xf32>
    %reduce_sum3A_21 = vector.multi_reduction <add>, %select_n3A_17, %reduce_sum3A_20 [0] : vector<240x512xf32> to vector<512xf32>
    %broadcast_in_dim3A_22 = vector.shape_cast %reduce_sum3A_21 : vector<512xf32> to vector<1x512xf32>
    %add3A_23 = arith.addf %broadcast_in_dim3A_4, %broadcast_in_dim3A_22 : vector<1x512xf32>
    %get3A_24 = arith.constant 0 : index
    %get3A_25 = arith.constant 0 : index
    %get3A_26 = vector.load %arg2[%get3A_24, %get3A_25] : memref<240x512xf32, #tpu.memory_space<vmem>>, vector<240x512xf32>
    %get3A_27 = arith.constant 0 : index
    %get3A_28 = arith.constant 0 : index
    %get3A_29 = vector.load %arg6[%get3A_27, %get3A_28] : memref<240x512xf32, #tpu.memory_space<vmem>>, vector<240x512xf32>
    %gt3A_30 = arith.constant 0.000000e+00 : f32
    %gt3A_31 = vector.broadcast %gt3A_30 : f32 to vector<240x512xf32>
    %gt3A_32 = arith.cmpf ogt, %get3A_29, %gt3A_31 : vector<240x512xf32>
    %sub3A_33 = arith.subf %get3A_26, %get3A_29 : vector<240x512xf32>
    %abs3A_34 = math.absf %sub3A_33 : vector<240x512xf32>
    %jit3A_35 = arith.constant 0.000000e+00 : f32
    %broadcast_in_dim3A_36 = vector.broadcast %jit3A_35 : f32 to vector<240x512xf32>
    %select_n3A_37 = arith.select %gt3A_32, %abs3A_34, %broadcast_in_dim3A_36 : vector<240x512xi1>, vector<240x512xf32>
    %jit3A_38 = arith.constant 1.000000e+00 : f32
    %jit3A_39 = arith.constant 0.000000e+00 : f32
    %broadcast_in_dim3A_40 = vector.broadcast %jit3A_38 : f32 to vector<240x512xf32>
    %broadcast_in_dim3A_41 = vector.broadcast %jit3A_39 : f32 to vector<240x512xf32>
    %select_n3A_42 = arith.select %gt3A_32, %broadcast_in_dim3A_40, %broadcast_in_dim3A_41 : vector<240x512xi1>, vector<240x512xf32>
    %reduce_sum3A_43 = arith.constant dense<0.000000e+00> : vector<512xf32>
    %reduce_sum3A_44 = vector.multi_reduction <add>, %select_n3A_37, %reduce_sum3A_43 [0] : vector<240x512xf32> to vector<512xf32>
    %broadcast_in_dim3A_45 = vector.shape_cast %reduce_sum3A_44 : vector<512xf32> to vector<1x512xf32>
    %add3A_46 = arith.addf %add3A, %broadcast_in_dim3A_45 : vector<1x512xf32>
    %reduce_sum3A_47 = arith.constant dense<0.000000e+00> : vector<512xf32>
    %reduce_sum3A_48 = vector.multi_reduction <add>, %select_n3A_42, %reduce_sum3A_47 [0] : vector<240x512xf32> to vector<512xf32>
    %broadcast_in_dim3A_49 = vector.shape_cast %reduce_sum3A_48 : vector<512xf32> to vector<1x512xf32>
    %add3A_50 = arith.addf %add3A_23, %broadcast_in_dim3A_49 : vector<1x512xf32>
    %get3A_51 = arith.constant 0 : index
    %get3A_52 = arith.constant 0 : index
    %get3A_53 = vector.load %arg3[%get3A_51, %get3A_52] : memref<240x512xf32, #tpu.memory_space<vmem>>, vector<240x512xf32>
    %get3A_54 = arith.constant 0 : index
    %get3A_55 = arith.constant 0 : index
    %get3A_56 = vector.load %arg7[%get3A_54, %get3A_55] : memref<240x512xf32, #tpu.memory_space<vmem>>, vector<240x512xf32>
    %gt3A_57 = arith.constant 0.000000e+00 : f32
    %gt3A_58 = vector.broadcast %gt3A_57 : f32 to vector<240x512xf32>
    %gt3A_59 = arith.cmpf ogt, %get3A_56, %gt3A_58 : vector<240x512xf32>
    %sub3A_60 = arith.subf %get3A_53, %get3A_56 : vector<240x512xf32>
    %abs3A_61 = math.absf %sub3A_60 : vector<240x512xf32>
    %jit3A_62 = arith.constant 0.000000e+00 : f32
    %broadcast_in_dim3A_63 = vector.broadcast %jit3A_62 : f32 to vector<240x512xf32>
    %select_n3A_64 = arith.select %gt3A_59, %abs3A_61, %broadcast_in_dim3A_63 : vector<240x512xi1>, vector<240x512xf32>
    %jit3A_65 = arith.constant 1.000000e+00 : f32
    %jit3A_66 = arith.constant 0.000000e+00 : f32
    %broadcast_in_dim3A_67 = vector.broadcast %jit3A_65 : f32 to vector<240x512xf32>
    %broadcast_in_dim3A_68 = vector.broadcast %jit3A_66 : f32 to vector<240x512xf32>
    %select_n3A_69 = arith.select %gt3A_59, %broadcast_in_dim3A_67, %broadcast_in_dim3A_68 : vector<240x512xi1>, vector<240x512xf32>
    %reduce_sum3A_70 = arith.constant dense<0.000000e+00> : vector<512xf32>
    %reduce_sum3A_71 = vector.multi_reduction <add>, %select_n3A_64, %reduce_sum3A_70 [0] : vector<240x512xf32> to vector<512xf32>
    %broadcast_in_dim3A_72 = vector.shape_cast %reduce_sum3A_71 : vector<512xf32> to vector<1x512xf32>
    %add3A_73 = arith.addf %add3A_46, %broadcast_in_dim3A_72 : vector<1x512xf32>
    %reduce_sum3A_74 = arith.constant dense<0.000000e+00> : vector<512xf32>
    %reduce_sum3A_75 = vector.multi_reduction <add>, %select_n3A_69, %reduce_sum3A_74 [0] : vector<240x512xf32> to vector<512xf32>
    %broadcast_in_dim3A_76 = vector.shape_cast %reduce_sum3A_75 : vector<512xf32> to vector<1x512xf32>
    %add3A_77 = arith.addf %add3A_50, %broadcast_in_dim3A_76 : vector<1x512xf32>
    %get3A_78 = arith.constant 0 : index
    %get3A_79 = arith.constant 0 : index
    %get3A_80 = vector.load %arg4[%get3A_78, %get3A_79] : memref<240x512xf32, #tpu.memory_space<vmem>>, vector<240x512xf32>
    %get3A_81 = arith.constant 0 : index
    %get3A_82 = arith.constant 0 : index
    %get3A_83 = vector.load %arg8[%get3A_81, %get3A_82] : memref<240x512xf32, #tpu.memory_space<vmem>>, vector<240x512xf32>
    %gt3A_84 = arith.constant 0.000000e+00 : f32
    %gt3A_85 = vector.broadcast %gt3A_84 : f32 to vector<240x512xf32>
    %gt3A_86 = arith.cmpf ogt, %get3A_83, %gt3A_85 : vector<240x512xf32>
    %sub3A_87 = arith.subf %get3A_80, %get3A_83 : vector<240x512xf32>
    %abs3A_88 = math.absf %sub3A_87 : vector<240x512xf32>
    %jit3A_89 = arith.constant 0.000000e+00 : f32
    %broadcast_in_dim3A_90 = vector.broadcast %jit3A_89 : f32 to vector<240x512xf32>
    %select_n3A_91 = arith.select %gt3A_86, %abs3A_88, %broadcast_in_dim3A_90 : vector<240x512xi1>, vector<240x512xf32>
    %jit3A_92 = arith.constant 1.000000e+00 : f32
    %jit3A_93 = arith.constant 0.000000e+00 : f32
    %broadcast_in_dim3A_94 = vector.broadcast %jit3A_92 : f32 to vector<240x512xf32>
    %broadcast_in_dim3A_95 = vector.broadcast %jit3A_93 : f32 to vector<240x512xf32>
    %select_n3A_96 = arith.select %gt3A_86, %broadcast_in_dim3A_94, %broadcast_in_dim3A_95 : vector<240x512xi1>, vector<240x512xf32>
    %reduce_sum3A_97 = arith.constant dense<0.000000e+00> : vector<512xf32>
    %reduce_sum3A_98 = vector.multi_reduction <add>, %select_n3A_91, %reduce_sum3A_97 [0] : vector<240x512xf32> to vector<512xf32>
    %broadcast_in_dim3A_99 = vector.shape_cast %reduce_sum3A_98 : vector<512xf32> to vector<1x512xf32>
    %add3A_100 = arith.addf %add3A_73, %broadcast_in_dim3A_99 : vector<1x512xf32>
    %reduce_sum3A_101 = arith.constant dense<0.000000e+00> : vector<512xf32>
    %reduce_sum3A_102 = vector.multi_reduction <add>, %select_n3A_96, %reduce_sum3A_101 [0] : vector<240x512xf32> to vector<512xf32>
    %broadcast_in_dim3A_103 = vector.shape_cast %reduce_sum3A_102 : vector<512xf32> to vector<1x512xf32>
    %add3A_104 = arith.addf %add3A_77, %broadcast_in_dim3A_103 : vector<1x512xf32>
    %get3A_105 = arith.constant 0 : index
    %get3A_106 = arith.constant 0 : index
    %get3A_107 = vector.load %arg10[%get3A_105, %get3A_106] : memref<1x512xf32, #tpu.memory_space<vmem>>, vector<1x512xf32>
    %add3A_108 = arith.addf %get3A_107, %add3A_100 : vector<1x512xf32>
    %swap3A = arith.constant 0 : index
    %swap3A_109 = arith.constant 0 : index
    %swap3A_110 = vector.load %arg10[%swap3A, %swap3A_109] : memref<1x512xf32, #tpu.memory_space<vmem>>, vector<1x512xf32>
    tpu.vector_store %arg10[%swap3A, %swap3A_109], %add3A_108 {strides = array<i32>} : memref<1x512xf32, #tpu.memory_space<vmem>>, vector<1x512xf32>,
    %get3A_111 = arith.constant 0 : index
    %get3A_112 = arith.constant 0 : index
    %get3A_113 = vector.load %arg11[%get3A_111, %get3A_112] : memref<1x512xf32, #tpu.memory_space<vmem>>, vector<1x512xf32>
    %add3A_114 = arith.addf %get3A_113, %add3A_104 : vector<1x512xf32>
    %swap3A_115 = arith.constant 0 : index
    %swap3A_116 = arith.constant 0 : index
    %swap3A_117 = vector.load %arg11[%swap3A_115, %swap3A_116] : memref<1x512xf32, #tpu.memory_space<vmem>>, vector<1x512xf32>
    tpu.vector_store %arg11[%swap3A_115, %swap3A_116], %add3A_114 {strides = array<i32>} : memref<1x512xf32, #tpu.memory_space<vmem>>, vector<1x512xf32>,
    %eq3A_118 = arith.constant 7 : i32
    %eq3A_119 = arith.cmpi eq, %arg0, %eq3A_118 : i32
    %convert_element_type3A_120 = arith.extui %eq3A_119 : i1 to i32
    %cond3A_121 = arith.constant 0 : i32
    %cond3A_122 = arith.cmpi ne, %convert_element_type3A_120, %cond3A_121 : i32
    scf.if %cond3A_122 {
      %get3A_123 = arith.constant 0 : index
      %get3A_124 = arith.constant 0 : index
      %get3A_125 = vector.load %arg10[%get3A_123, %get3A_124] : memref<1x512xf32, #tpu.memory_space<vmem>>, vector<1x512xf32>
      %reduce_sum3A_126 = vector.shape_cast %get3A_125 : vector<1x512xf32> to vector<1x1x512xf32>
      %reduce_sum3A_127 = arith.constant dense<0.000000e+00> : vector<1xf32>
      %reduce_sum3A_128 = vector.multi_reduction <add>, %reduce_sum3A_126, %reduce_sum3A_127 [1, 2] : vector<1x1x512xf32> to vector<1xf32>
      %reduce_sum3A_129 = vector.shape_cast %reduce_sum3A_128 : vector<1xf32> to vector<1x1x1xf32>
      %reduce_sum3A_130 = vector.extract %reduce_sum3A_129[0, 0, 0] : f32 from vector<1x1x1xf32>
      %swap3A_131 = arith.constant 0 : index
      %swap3A_132 = arith.constant 0 : index
      %swap3A_133 = memref.load %arg9[%swap3A_131, %swap3A_132] : memref<1x2xf32, #tpu.memory_space<smem>>
      memref.store %reduce_sum3A_130, %arg9[%swap3A_131, %swap3A_132] : memref<1x2xf32, #tpu.memory_space<smem>>
      %get3A_134 = arith.constant 0 : index
      %get3A_135 = arith.constant 0 : index
      %get3A_136 = vector.load %arg11[%get3A_134, %get3A_135] : memref<1x512xf32, #tpu.memory_space<vmem>>, vector<1x512xf32>
      %reduce_sum3A_137 = vector.shape_cast %get3A_136 : vector<1x512xf32> to vector<1x1x512xf32>
      %reduce_sum3A_138 = arith.constant dense<0.000000e+00> : vector<1xf32>
      %reduce_sum3A_139 = vector.multi_reduction <add>, %reduce_sum3A_137, %reduce_sum3A_138 [1, 2] : vector<1x1x512xf32> to vector<1xf32>
      %reduce_sum3A_140 = vector.shape_cast %reduce_sum3A_139 : vector<1xf32> to vector<1x1x1xf32>
      %reduce_sum3A_141 = vector.extract %reduce_sum3A_140[0, 0, 0] : f32 from vector<1x1x1xf32>
      %swap3A_142 = arith.constant 0 : index
      %swap3A_143 = arith.constant 1 : index
      %swap3A_144 = memref.load %arg9[%swap3A_142, %swap3A_143] : memref<1x2xf32, #tpu.memory_space<smem>>
      memref.store %reduce_sum3A_141, %arg9[%swap3A_142, %swap3A_143] : memref<1x2xf32, #tpu.memory_space<smem>>
    } else {
    }
    return
  }
  func.func @transform_0(%arg0: i32) -> (i32, i32) {
    %add3A = arith.constant 0 : i32
    %add3A_0 = arith.addi %arg0, %add3A : i32
    %c0_i32 = arith.constant 0 : i32
    %c0_i32_1 = arith.constant 0 : i32
    return %add3A_0, %c0_i32 : i32, i32
  }
  func.func @transform_1(%arg0: i32) -> (i32, i32) {
    %add3A = arith.constant 8 : i32
    %add3A_0 = arith.addi %arg0, %add3A : i32
    %c0_i32 = arith.constant 0 : i32
    %c0_i32_1 = arith.constant 0 : i32
    return %add3A_0, %c0_i32 : i32, i32
  }
  func.func @transform_2(%arg0: i32) -> (i32, i32) {
    %add3A = arith.constant 16 : i32
    %add3A_0 = arith.addi %arg0, %add3A : i32
    %c0_i32 = arith.constant 0 : i32
    %c0_i32_1 = arith.constant 0 : i32
    return %add3A_0, %c0_i32 : i32, i32
  }
  func.func @transform_3(%arg0: i32) -> (i32, i32) {
    %add3A = arith.constant 24 : i32
    %add3A_0 = arith.addi %arg0, %add3A : i32
    %c0_i32 = arith.constant 0 : i32
    %c0_i32_1 = arith.constant 0 : i32
    return %add3A_0, %c0_i32 : i32, i32
  }
  func.func @transform_4(%arg0: i32) -> (i32, i32) {
    %add3A = arith.constant 0 : i32
    %add3A_0 = arith.addi %arg0, %add3A : i32
    %c0_i32 = arith.constant 0 : i32
    %c0_i32_1 = arith.constant 0 : i32
    return %add3A_0, %c0_i32 : i32, i32
  }
  func.func @transform_5(%arg0: i32) -> (i32, i32) {
    %add3A = arith.constant 8 : i32
    %add3A_0 = arith.addi %arg0, %add3A : i32
    %c0_i32 = arith.constant 0 : i32
    %c0_i32_1 = arith.constant 0 : i32
    return %add3A_0, %c0_i32 : i32, i32
  }
  func.func @transform_6(%arg0: i32) -> (i32, i32) {
    %add3A = arith.constant 16 : i32
    %add3A_0 = arith.addi %arg0, %add3A : i32
    %c0_i32 = arith.constant 0 : i32
    %c0_i32_1 = arith.constant 0 : i32
    return %add3A_0, %c0_i32 : i32, i32
  }
  func.func @transform_7(%arg0: i32) -> (i32, i32) {
    %add3A = arith.constant 24 : i32
    %add3A_0 = arith.addi %arg0, %add3A : i32
    %c0_i32 = arith.constant 0 : i32
    %c0_i32_1 = arith.constant 0 : i32
    return %add3A_0, %c0_i32 : i32, i32
  }
  func.func @transform_8(%arg0: i32) -> (i32, i32) {
    %c0_i32 = arith.constant 0 : i32
    %c0_i32_0 = arith.constant 0 : i32
    %c0_i32_1 = arith.constant 0 : i32
    return %c0_i32, %c0_i32_0 : i32, i32
  }
}

</mosaic_0001>

<sc_bundles>
// kernel: kernel.4.cloned.1.call-start
scs
__scs_entry_jumppad:
0x0: {  	(pc) =	sbr.rel $0x88, $3  }
0x1: {  	(tag) =	ssettag $0x0;
	lr =	simm.s32 $0x1  }
0x2: {  	[smem:$0x3F9F] =	sst lr;
	_ =	strace $0xD0000000  }
0x3: {  	_ = 	snop  }
0x4: {  	_ = 	snop  }
0x5: {  	_ = 	snop  }
0x6: {  	_ = 	snop  }
0x7: {  	_ = 	snop  }
__scs_overlays_trampoline_lowered:
0x8: {  	[smem:$0x3FAE] =	sst s0  }
0x9: {  	[smem:$0x3FAF] =	sst s1  }
0xa: {  	[smem:$0x3FB0] =	sst s2  }
0xb: {  	[smem:$0x3FB1] =	sst s3  }
0xc: {  	[smem:$0x3FB2] =	sst s4  }
0xd: {  	[smem:$0x3FB3] =	sst s5  }
0xe: {  	[smem:$0x3FB4] =	sst s6  }
0xf: {  	[smem:$0x3FB5] =	sst s7  }
0x10: {  	[smem:$0x3FB6] =	sst s8  }
0x11: {  	[smem:$0x3FB7] =	sst s9;
	s0 =	simm.s32 @!p0 $0x0  }
0x12: {  	s1 =	sld [smem:$0x3F9D];
	s0 =	simm.s32 @p0 $0x1  }
0x13: {  	[smem:$0x3FB8] =	sst s0;
	s0 =	simm.s32 @!p1 $0x0  }
0x14: {  	s2 =	sld [smem:$0x3F9C];
	s0 =	simm.s32 @p1 $0x1  }
0x15: {  	[smem:$0x3FB9] =	sst s0;
	s0 =	simm.s32 @!p2 $0x0  }
0x16: {  	s3 =	sld [smem:$0x3FDB];
	s0 =	simm.s32 @p2 $0x1  }
0x17: {  	s4 =	simm.s32 $0x1BF5;
	[smem:$0x3FBB] =	sst s0  }
0x18: {  	s0 =	sld [smem:$0x3F9E];
	_ =	swait.ge [sflag:s4], $0x0  }
0x19: {  	s7 =	sld [smem:$0x3F9F]  }
0x1a: {  	s8 =	sadd.s32 $0xFFFFE003, lr  }
0x1b: {  	s9 =	sadd.s32 $0xFFFFFEF7, lr;
	s5 =	simm.s32 $0xFFFFFFFF;
	p2 =	slt.u32 s8, $0xFFFFF086  }
0x1c: {  	p1 =	slt.u32 s9, $0xF7A;
	s5 =	simm.s32 @!p2 $0x0  }
0x1d: {  	s5 =	simm.s32 @p1 $0x1;
	p0 =	seq.s32 s7, s2  }
0x1e: {  	s7 =	smul.u32 @!p0 $0xF7A, s2;
	p2 =	seq.s32 @!p0 s5, $0x0  }
0x1f: {  	s9 =	smul.u32 $0xF7A, s1;
	s8 =	simm.s32 @!p0 $0x1BF5;
	p2 =	por !p2, p0  }
0x20: {  	[sflag:s8] =	ssyncset.s32 @!p0 $0xFFFFF086;
	s6 =	sadd.s32 @!p0 s3, s7;
	s7 =	simm.s32 @!p0 $0x108  }
0x21: {  	s3 =	sadd.s32 s3, s9;
	s6 =	sadd.s32 @!p0 $0x88, s6;
	s7 =	simm.s32 @p2 $0x1082  }
0x22: {  	[simem:s7], [sflag:s8] =	dma.local @!p0 [hbm:s6], $0xF7A  }
0x23: {  	s9 =	sor.u32 $0xD0000000, s2;
	s6 =	simm.s32 $0x108;
	_ =	swait.ge @!p0 [sflag:s8], $0x0  }
0x24: {  	s3 =	sadd.s32 $0x88, s3;
	s6 =	simm.s32 @!p1 $0x1082;
	[sflag:s4] =	ssyncset.s32 $0xFFFFF086  }
0x25: {  	[simem:s6], [sflag:s4] =	dma.local [hbm:s3], $0xF7A  }
0x26: {  	[smem:$0x3F9F] =	sst s1;
	(tag) =	ssettag s2;
	_ =	strace s9  }
0x27: {  	s1 =	sld [smem:$0x3FAF]  }
0x28: {  	s2 =	sld [smem:$0x3FB0]  }
0x29: {  	s4 =	sld [smem:$0x3FB2]  }
0x2a: {  	p0 =	seq.s32 s5, $0x0;
	s5 =	sld [smem:$0x3FB3]  }
0x2b: {  	s6 =	sld [smem:$0x3FB4]  }
0x2c: {  	s7 =	sld [smem:$0x3FB5]  }
0x2d: {  	s3 =	simm.s32 $0x108;
	s8 =	sld [smem:$0x3FB6]  }
0x2e: {  	s3 =	simm.s32 @!p0 $0x1082;
	s9 =	sld [smem:$0x3FB7]  }
0x2f: {  	lr =	sadd.s32 s0, s3;
	s0 =	sld [smem:$0x3FAE]  }
0x30: {  	s3 =	sld [smem:$0x3FB1]  }
0x31: {  	[smem:$0x3FBA] =	sst s10  }
0x32: {  	s10 =	sld [smem:$0x3FB8];
	_ =	sdelay $0x3  }
0x33: {  	p0 =	seq.s32 s10, $0x1;
	s10 =	sld [smem:$0x3FBA];
	_ =	sdelay $0x3  }
0x34: {  	[smem:$0x3FBA] =	sst s10  }
0x35: {  	s10 =	sld [smem:$0x3FB9];
	_ =	sdelay $0x3  }
0x36: {  	p1 =	seq.s32 s10, $0x1;
	s10 =	sld [smem:$0x3FBA];
	_ =	sdelay $0x3  }
0x37: {  	[smem:$0x3FBA] =	sst s10  }
0x38: {  	s10 =	sld [smem:$0x3FBB]  }
0x39: {  	_ = 	snop;
	(pc) =	sbr.ind lr, $3  }
0x3a: {  	_ = 	snop  }
0x3b: {  	_ = 	snop  }
0x3c: {  	p2 =	seq.s32 s10, $0x1;
	s10 =	sld [smem:$0x3FBA]  }
0x3d: {  	_ =	shalt  }
0x3e: {  	_ =	shalt  }
0x3f: {  	_ =	shalt  }
0x40: {  	_ =	shalt  }
0x41: {  	_ =	shalt  }
0x42: {  	_ =	shalt  }
0x43: {  	_ =	shalt  }
0x44: {  	_ =	shalt  }
0x45: {  	_ =	shalt  }
0x46: {  	_ =	shalt  }
0x47: {  	_ =	shalt  }
0x48: {  	_ =	shalt  }
0x49: {  	_ =	shalt  }
0x4a: {  	_ =	shalt  }
0x4b: {  	_ =	shalt  }
0x4c: {  	_ =	shalt  }
0x4d: {  	_ =	shalt  }
0x4e: {  	_ =	shalt  }
0x4f: {  	_ =	shalt  }
0x50: {  	_ =	shalt  }
0x51: {  	_ =	shalt  }
0x52: {  	_ =	shalt  }
0x53: {  	_ =	shalt  }
0x54: {  	_ =	shalt  }
0x55: {  	_ =	shalt  }
0x56: {  	_ =	shalt  }
0x57: {  	_ =	shalt  }
0x58: {  	_ =	shalt  }
0x59: {  	_ =	shalt  }
0x5a: {  	_ =	shalt  }
0x5b: {  	_ =	shalt  }
0x5c: {  	_ =	shalt  }
0x5d: {  	_ =	shalt  }
0x5e: {  	_ =	shalt  }
0x5f: {  	_ =	shalt  }
0x60: {  	_ =	shalt  }
0x61: {  	_ =	shalt  }
0x62: {  	_ =	shalt  }
0x63: {  	_ =	shalt  }
0x64: {  	_ =	shalt  }
0x65: {  	_ =	shalt  }
0x66: {  	_ =	shalt  }
0x67: {  	_ =	shalt  }
0x68: {  	_ =	shalt  }
0x69: {  	_ =	shalt  }
0x6a: {  	_ =	shalt  }
0x6b: {  	_ =	shalt  }
0x6c: {  	_ =	shalt  }
0x6d: {  	_ =	shalt  }
0x6e: {  	_ =	shalt  }
0x6f: {  	_ =	shalt  }
0x70: {  	_ =	shalt  }
0x71: {  	_ =	shalt  }
0x72: {  	_ =	shalt  }
0x73: {  	_ =	shalt  }
0x74: {  	_ =	shalt  }
0x75: {  	_ =	shalt  }
0x76: {  	_ =	shalt  }
0x77: {  	_ =	shalt  }
0x78: {  	_ =	shalt  }
0x79: {  	_ =	shalt  }
0x7a: {  	_ =	shalt  }
0x7b: {  	_ =	shalt  }
0x7c: {  	_ =	shalt  }
0x7d: {  	_ =	shalt  }
0x7e: {  	_ =	shalt  }
0x7f: {  	_ =	shalt  }
0x80: {  	_ =	shalt  }
0x81: {  	_ =	shalt  }
0x82: {  	_ =	shalt  }
0x83: {  	_ =	shalt  }
0x84: {  	_ =	shalt  }
0x85: {  	_ =	shalt  }
0x86: {  	_ =	shalt  }
0x87: {  	_ =	shalt  }
.Lfunc_end0:
.L_simem_size_0:
called_computation_lowered:
.L_overlay_start_0:
0x88: {  	s2 =	sld [smem:$0x3FD9]  }
0x89: {  	s3 =	sld [smem:$0x3FFE];
	_ =	sdelay $0x1  }
0x8a: {  	s1 =	srdreg.scid  }
0x8b: {  	s0 =	sand.u32 $0x1, s1  }
0x8c: {  	s17 =	sshll.u32 s0, $0xA;
	s2 =	sadd.s32 s3, s2  }
0x8d: {  	s2 =	sadd.s32 s2, s17  }
0x8e: {  	[smem:$0x3FC6] =	sst s2  }
0x8f: {  	_ = 	snop  }
0x90: {  	s2 =	sld [smem:$0x3FC9]  }
0x91: {  	s18 =	sld [smem:$0x3FC8];
	(tm) =	ssettm $0x1  }
0x92: {  	s4 =	sld [smem:$0x3FFB];
	_ =	sdelay $0x3  }
0x93: {  	_ =	strace s4  }
0x94: {  	s4 =	sld [smem:$0x3FFC];
	_ =	sdelay $0x3  }
0x95: {  	_ =	strace s4  }
0x96: {  	s4 =	sld [smem:$0x3FFD];
	_ =	sdelay $0x3  }
0x97: {  	_ =	strace s4  }
0x98: {  	_ =	strace $0x8FFFFFFF  }
0x99: {  	s19 =	sld [smem:$0x3FDB];
	_ =	sdelay $0x1  }
0x9a: {  	s5 =	simm.s32 $_scs_section_size  }
0x9b: {  	s6 =	simm.s32 $_size__tile_overlayer_lowered;
	s7 =	simm.s32 $_tile_overlayer_lowered  }
0x9c: {  	s22 =	simm.s32 $0x1BFF;
	s21 =	sshll.u32 s7, $0x1;
	s4 =	sadd.s32 s5, s19  }
0x9d: {  	s8 =	simm.s32 $0x0;
	s20 =	sshll.u32 s6, $0x1;
	s6 =	sadd.s32 s21, s4  }
0x9e: {  	[timem:s8], [sflag:s22] =	dma.local [hbm:s6], s20  }
0x9f: {  	_ =	swait.ge [sflag:s22], s20  }
0xa0: {  	s5 =	ssub.s32 $0x0, s20;
	[sflag:s22] =	ssyncset.done $0x0  }
0xa1: {  	[sflag:s22] =	ssyncadd.s32 s5;
	_ =	sdelay $0x1  }
0xa2: {  	s23 =	simm.s32 $0x1B8B  }
0xa3: {  	_ =	swait.ge [sflag:s23], $0x1  }
0xa4: {  	[sflag:s23] =	ssyncset.done $0x0  }
0xa5: {  	s25 =	simm.s32 $0x1B8E;
	s24 =	sld [smem:$0x3FFE];
	[sflag:s23] =	ssyncadd.s32 $0xFFFFFFFF  }
0xa6: {  	s26 =	simm.s32 $execute0_lowered;
	[smem:$0x3FD2] =	sst s25  }
0xa7: {  	s6 =	sshll.u32 s26, $0x1;
	_ =	strace $0x80000046;
	[dreg:$0x1] =	wrdreg $0xFFFFFFFF  }
0xa8: {  	s28 =	simm.s32 $_size_execute0_lowered;
	s4 =	sadd.s32 s4, s6;
	[dreg:$0x0] =	wrdreg $0x0  }
0xa9: {  	s6 =	sshll.u32 s28, $0x1;
	[dreg:$0x2] =	wrdreg s4  }
0xaa: {  	[dreg:$0x3] =	wrdreg s6  }
0xab: {  	[dreg:$0x4] =	wrdreg $0xC0  }
0xac: {  	_ =	task [dreg:s8], $0x5FFFF  }
0xad: {  	[dreg:$0x1] =	wrdreg $0xFFFFFFFF  }
0xae: {  	[dreg:$0x0] =	wrdreg $0x60  }
0xaf: {  	[dreg:$0x2] =	wrdreg s2  }
0xb0: {  	[dreg:$0x3] =	wrdreg s18  }
0xb1: {  	[dreg:$0x4] =	wrdreg s24  }
0xb2: {  	[dreg:$0x5] =	wrdreg $0x9  }
0xb3: {  	_ =	task.clear_ibuf [dreg:s8], $0x6FFFF;
	_ =	strace $0x90000046  }
0xb4: {  	s29 =	simm.s32 $0x9;
	_ =	strace $0x80000048  }
0xb5: {  	_ =	swait.ge [sflag:s29], $0x1  }
0xb6: {  	[sflag:s29] =	ssyncadd.s32 $0xFFFFFFFF  }
0xb7: {  	_ =	strace $0x90000048  }
0xb8: {  	_ =	sfence  }
0xb9: {  	s30 =	sld [smem:$0x0];
	_ =	sdelay $0x2  }
0xba: {  	s31 =	sshll.u32 s1, $0xD;
	s1 =	sshrl.u32 s1, $0x2  }
0xbb: {  	s3 =	sand.u32 $0x4000, s31;
	s1 =	sadd.s32 s1, s30  }
0xbc: {  	s0 =	sor.u32 s3, s0;
	s1 =	sshll.u32 s1, $0x11  }
0xbd: {  	s0 =	sor.u32 s1, s0  }
0xbe: {  	s0 =	sadd.s32 $0x8F2B, s0  }
0xbf: {  	[sflag:s0] =	ssyncadd.remote.s32 $0x1  }
0xc0: {  	_ =	sfence.sel $0xFFFF  }
0xc1: {  	[dreg:$0x0] =	wrdreg $0xFFFFFFFF;
	(pc) =	sbr.abs _section_cstart, $3  }
0xc2: {  	[dreg:$0x1] =	wrdreg $0xFFFFFFFF  }
0xc3: {  	_ =	task.clear_ibuf [dreg:s8], $0x2FFFF;
	_ =	strace $0x9FFFFFFF  }
0xc4: {  	(tm) =	ssettm $0x7FFFFFFF  }
0xc5: {  	_ =	shalt  }
tec
execute0_lowered:
.L_overlay_start_1:
0x0: {  	(tag) =	ssettag $0x1  }
0x1: {  	s6 =	rddreg [dreg:$0x0]  }
0x2: {  	s7 =	rddreg [dreg:$0x1]  }
0x3: {  	s1 =	srdreg.scid;
	s0 =	stileid.u32  }
0x4: {  	s5 =	rddreg [dreg:$0x2];
	s2 =	simm.s32 $0x0;
	s12 =	simm.s32 $0x3000  }
0x5: {  	s13 =	simm.s32 $0x1;
	s14 =	simm.s32 $0x2;
	s15 =	simm.s32 $0x3  }
0x6: {  	s16 =	simm.s32 $0x4;
	s17 =	simm.s32 $0x4000;
	s18 =	simm.s32 $0x5  }
0x7: {  	s19 =	simm.s32 $0x4080;
	s3 =	sand.u32 $0x1, s1;
	s1 =	rddreg [dreg:$0x3]  }
0x8: {  	s20 =	simm.s32 $0x0;
	s4 =	sshll.u32 s0, $0x1;
	[smem:$0x7FF] =	sst s2  }
0x9: {  	s4 =	sor.u32 s3, s4;
	s3 =	ssub.s32 $0x2, s3;
	_ =	strace $0x80000047  }
0xa: {  	s8 =	sshll.u32 s4, $0xA;
	s9 =	sshrl.u32 s3, $0x1;
	s11 =	sshll.u32 s4, $0x4  }
0xb: {  	s10 =	sor.u32 $0x78000, s8;
	s9 =	ssub.s32 s3, s9;
	s8 =	sor.u32 $0x78200, s8  }
0xc: {  	s5 =	sadd.s32 s5, s11;
	s11 =	simm.s32 $0x2000;
	s3 =	sadd.s32 s6, s10  }
0xd: {  	s4 =	sadd.s32 s7, s10;
	s6 =	sadd.s32 s6, s8;
	s7 =	sadd.s32 s7, s8  }
0xe: {  	v0 =	vimm.f32 $0.0e+00;
	s8 =	sadd.s32 $0x200, s5;
	s9 =	smax.u32 s9, $0x1;
	s10 =	simm.s32 $0x1000  }
.LBB2_1:
0xf: {  	[tilespmem:s2], [sflag:$0x1] =	stream.linear.gather [hbm4b:s3+s2], $0x1000, $0x38;
	[tilespmem:$0x4100] =	vst v63  }
0x10: {  	_ = 	snop  }
0x11: {  	[tilespmem:s10], [sflag:$0x2] =	stream.linear.gather [hbm4b:s4+s2], $0x1000, $0x38;
	[tilespmem:$0x4100] =	vst v63  }
0x12: {  	_ = 	snop  }
0x13: {  	[tilespmem:s11], [sflag:$0x3] =	stream.linear.gather [hbm4b:s6+s2], $0x1000, $0x38;
	[tilespmem:$0x4100] =	vst v63  }
0x14: {  	_ = 	snop  }
0x15: {  	[tilespmem:s12], [sflag:$0x4] =	stream.linear.gather [hbm4b:s7+s2], $0x1000, $0x38;
	[tilespmem:$0x4100] =	vst v63  }
0x16: {  	_ =	swait.ge [sflag:s13], $0x1000  }
0x17: {  	[sflag:s13] =	ssyncset.done $0x0  }
0x18: {  	s21 =	sand.u32 $0x40, s2;
	[sflag:s13] =	ssyncadd.s32 $0xFFFFF000  }
0x19: {  	s22 =	simm.s32 $0x0;
	s23 =	simm.s32 $0x0;
	_ =	swait.ge [sflag:s14], $0x1000  }
0x1a: {  	s22 =	sand.u32 $0xFFFFFC00, s22;
	s21 =	sor.u32 s21, s23;
	[sflag:s14] =	ssyncset.done $0x0  }
0x1b: {  	s21 =	sor.u32 s22, s21;
	[sflag:s14] =	ssyncadd.s32 $0xFFFFF000  }
0x1c: {  	v1 =	vld [tilespmem:s21+$0x30]  }
0x1d: {  	v2 =	vld [tilespmem:s21+$0x1030]  }
0x1e: {  	v3 =	vld [tilespmem:s21+$0x0]  }
0x1f: {  	v4 =	vld [tilespmem:s21+$0x1000]  }
0x20: {  	v5 =	vld [tilespmem:s21+$0x10]  }
0x21: {  	v6 =	vld [tilespmem:s21+$0x1010]  }
0x22: {  	v9 =	vld [tilespmem:s21+$0x20]  }
0x23: {  	v11 =	vld [tilespmem:s21+$0x1020];
	_ =	sdelay $0x1  }
0x24: {  	s29 =	simm.s32 $0x40  }
0x25: {  	s30 =	simm.s32 $0x200;
	s24 =	simm.s32 $0x0;
	s22 =	sand.u32 $0x40, s29;
	v1 =	vsub.f32 v1, v2;
	v3 =	vsub.f32 v3, v4  }
0x26: {  	s31 =	sand.u32 $0xFFFFFC00, s30;
	s22 =	sor.u32 s22, s24;
	vm0 =	vgt.f32 v2, $0.0e+00;
	vm1 =	vgt.f32 v4, $0.0e+00;
	v4 =	vsub.f32 v5, v6  }
0x27: {  	s21 =	sor.u32 s31, s22;
	vm14 =	vgt.f32 v6, $0.0e+00;
	vm15 =	vgt.f32 v11, $0.0e+00;
	v11 =	vsub.f32 v9, v11  }
0x28: {  	v8 =	vld [tilespmem:s21+$0x1030];
	v7 =	vsel vm0, $0x3F800000, v0;
	v13 =	vsel vm1, $0x3F800000, v0;
	v14 =	vsel vm14, $0x3F800000, v0  }
0x29: {  	v2 =	vld [tilespmem:s21+$0x30];
	v16 =	vsel vm15, $0x3F800000, v0;
	v1 =	vand.u32 $0x7FFFFFFF, v1;
	v3 =	vand.u32 $0x7FFFFFFF, v3  }
0x2a: {  	v10 =	vld [tilespmem:s21+$0x0];
	v4 =	vand.u32 $0x7FFFFFFF, v4;
	v1 =	vnsel vm0, $0x0, v1;
	v3 =	vnsel vm1, $0x0, v3  }
0x2b: {  	v9 =	vld [tilespmem:s21+$0x1000];
	v4 =	vnsel vm14, $0x0, v4;
	v1 =	vadd.f32 v1, v0;
	v6 =	vadd.f32 v3, v0  }
0x2c: {  	v12 =	vld [tilespmem:s21+$0x10];
	v15 =	vand.u32 $0x7FFFFFFF, v11;
	v5 =	vadd.f32 v4, v0;
	v3 =	vadd.f32 v13, v0  }
0x2d: {  	s25 =	simm.s32 $0x0;
	s28 =	simm.s32 $0x0;
	s23 =	simm.s32 $0x80;
	v11 =	vld [tilespmem:s21+$0x1010];
	v4 =	vadd.f32 v14, v0;
	v14 =	vnsel vm15, $0x0, v15;
	v15 =	vimm.f32 $0.0e+00  }
0x2e: {  	s26 =	sand.u32 $0x40, s23;
	s24 =	simm.s32 $0x3;
	s22 =	simm.s32 $0x400;
	v13 =	vld [tilespmem:s21+$0x20];
	v17 =	vsub.f32 v2, v8;
	v2 =	vadd.f32 v14, v0;
	v14 =	vimm.f32 $0.0e+00  }
.LBB2_2:
0x2f: {  	p0 =	sne.s32 s24, $0x3F;
	s28 =	ssub.s32 s22, s28;
	s25 =	sshll.u32 s25, $0x7;
	v18 =	vld [tilespmem:s21+$0x1020];
	v15 =	vadd.f32 v16, v15;
	v14 =	vadd.f32 v7, v14  }
0x30: {  	vm0 =	vgt.f32 v8, $0.0e+00;
	s21 =	sand.u32 $0xFFFFFC00, s28;
	s25 =	sor.u32 s26, s25;
	v10 =	vsub.f32 v10, v9;
	v7 =	vand.u32 $0x7FFFFFFF, v17  }
0x31: {  	vm1 =	vgt.f32 v9, $0.0e+00;
	s21 =	sor.u32 s21, s25;
	v8 =	vnsel vm0, $0x0, v7;
	v7 =	vsel vm0, $0x3F800000, v0  }
0x32: {  	v17 =	vld [tilespmem:s21+$0x30];
	v9 =	vand.u32 $0x7FFFFFFF, v10;
	v12 =	vsub.f32 v12, v11;
	v1 =	vadd.f32 v8, v1  }
0x33: {  	v20 =	vsel vm1, $0x3F800000, v0;
	vm0 =	vgt.f32 v11, $0.0e+00;
	v8 =	vld [tilespmem:s21+$0x1030];
	v19 =	vnsel vm1, $0x0, v9  }
.Ltmp0:
0x34: {  	v10 =	vld [tilespmem:s21+$0x0];
	v11 =	vand.u32 $0x7FFFFFFF, v12;
	vm1 =	vgt.f32 v18, $0.0e+00;
	v13 =	vsub.f32 v13, v18;
	(pc) =	sbr.rel @p0 .LBB2_2-.Ltmp0, $4  }
0x35: {  	v18 =	vsel vm0, $0x3F800000, v0;
	v9 =	vld [tilespmem:s21+$0x1000];
	v11 =	vnsel vm0, $0x0, v11;
	v16 =	vsel vm1, $0x3F800000, v0  }
0x36: {  	v6 =	vadd.f32 v19, v6;
	v12 =	vld [tilespmem:s21+$0x10];
	v5 =	vadd.f32 v11, v5;
	v13 =	vand.u32 $0x7FFFFFFF, v13  }
0x37: {  	s23 =	sadd.s32 $0x40, s23;
	s22 =	sadd.s32 $0x200, s22;
	s25 =	sshrl.u32 s24, $0x3;
	v3 =	vadd.f32 v20, v3;
	v4 =	vadd.f32 v18, v4;
	v11 =	vld [tilespmem:s21+$0x1010];
	v18 =	vnsel vm1, $0x0, v13  }
0x38: {  	s26 =	sand.u32 $0x40, s23;
	s24 =	sadd.s32 $0x1, s24;
	s28 =	sshll.u32 s25, $0xC;
	v13 =	vld [tilespmem:s21+$0x20];
	v17 =	vsub.f32 v17, v8;
	v2 =	vadd.f32 v18, v2  }
0x39: {  	s22 =	ssub.s32 s22, s28;
	s23 =	sshll.u32 s25, $0x7  }
0x3a: {  	s22 =	sand.u32 $0xFFFFFC00, s22;
	s23 =	sor.u32 s26, s23  }
0x3b: {  	v18 =	vld [tilespmem:s21+$0x1020];
	s23 =	sor.u32 s22, s23  }
0x3c: {  	v19 =	vld [tilespmem:s23+$0x30]  }
0x3d: {  	v20 =	vld [tilespmem:s23+$0x1030]  }
0x3e: {  	v15 =	vadd.f32 v16, v15;
	v21 =	vld [tilespmem:s23+$0x0]  }
0x3f: {  	v7 =	vadd.f32 v7, v14;
	v10 =	vsub.f32 v10, v9;
	v16 =	vld [tilespmem:s23+$0x1000]  }
0x40: {  	vm0 =	vgt.f32 v8, $0.0e+00;
	v8 =	vand.u32 $0x7FFFFFFF, v17;
	v14 =	vld [tilespmem:s23+$0x10];
	v12 =	vsub.f32 v12, v11  }
0x41: {  	vm1 =	vgt.f32 v9, $0.0e+00;
	v8 =	vnsel vm0, $0x0, v8;
	v17 =	vld [tilespmem:s23+$0x1010];
	v9 =	vand.u32 $0x7FFFFFFF, v10  }
0x42: {  	v10 =	vld [tilespmem:s23+$0x20];
	vm2 =	vgt.f32 v11, $0.0e+00;
	v9 =	vnsel vm1, $0x0, v9;
	v11 =	vand.u32 $0x7FFFFFFF, v12  }
0x43: {  	v1 =	vadd.f32 v8, v1;
	v12 =	vld [tilespmem:s23+$0x1020];
	v6 =	vadd.f32 v9, v6;
	_ =	swait.ge [sflag:s15], $0x1000;
	v8 =	vnsel vm2, $0x0, v11  }
0x44: {  	v9 =	vsel vm1, $0x3F800000, v0;
	[sflag:s15] =	ssyncset.done $0x0;
	v5 =	vadd.f32 v8, v5;
	v8 =	vsub.f32 v13, v18  }
0x45: {  	s24 =	simm.s32 $0x0;
	s25 =	simm.s32 $0x0;
	vm7 =	vgt.f32 v18, $0.0e+00;
	v11 =	vsel vm2, $0x3F800000, v0;
	v3 =	vadd.f32 v9, v3;
	[sflag:s15] =	ssyncadd.s32 $0xFFFFF000  }
0x46: {  	s21 =	sand.u32 $0x40, s24;
	s26 =	simm.s32 $0x0;
	v9 =	vsel vm7, $0x3F800000, v0;
	v4 =	vadd.f32 v11, v4;
	_ =	swait.ge [sflag:s16], $0x1000;
	v8 =	vand.u32 $0x7FFFFFFF, v8  }
0x47: {  	s22 =	sand.u32 $0xFFFFFC00, s25;
	s21 =	sor.u32 s21, s26;
	v18 =	vsel vm0, $0x3F800000, v0;
	v13 =	vsub.f32 v21, v16;
	[sflag:s16] =	ssyncset.done $0x0;
	v8 =	vnsel vm7, $0x0, v8  }
0x48: {  	s21 =	sor.u32 s22, s21;
	v11 =	vsub.f32 v19, v20;
	vm8 =	vgt.f32 v16, $0.0e+00;
	[sflag:s16] =	ssyncadd.s32 $0xFFFFF000;
	v2 =	vadd.f32 v8, v2  }
0x49: {  	v8 =	vadd.f32 v9, v15;
	v9 =	vand.u32 $0x7FFFFFFF, v13;
	v13 =	vsub.f32 v14, v17;
	v14 =	vld [tilespmem:s21+$0x2030]  }
0x4a: {  	vm9 =	vgt.f32 v20, $0.0e+00;
	vm10 =	vgt.f32 v17, $0.0e+00;
	v7 =	vadd.f32 v18, v7;
	v16 =	vld [tilespmem:s21+$0x3030]  }
0x4b: {  	v18 =	vsel vm10, $0x3F800000, v0;
	v11 =	vand.u32 $0x7FFFFFFF, v11;
	vm11 =	vgt.f32 v12, $0.0e+00;
	v17 =	vld [tilespmem:s21+$0x2000]  }
0x4c: {  	v10 =	vsub.f32 v10, v12;
	v18 =	vadd.f32 v18, v4;
	v11 =	vnsel vm9, $0x0, v11;
	v12 =	vld [tilespmem:s21+$0x3000]  }
0x4d: {  	v15 =	vsel vm8, $0x3F800000, v0;
	v62 =	vld [tilespmem:s21+$0x2010];
	v9 =	vnsel vm8, $0x0, v9;
	v11 =	vadd.f32 v11, v1  }
0x4e: {  	v1 =	vsel vm11, $0x3F800000, v0;
	v15 =	vadd.f32 v15, v3;
	v3 =	vld [tilespmem:s21+$0x3010];
	v13 =	vand.u32 $0x7FFFFFFF, v13  }
0x4f: {  	v19 =	vadd.f32 v9, v6;
	v6 =	vand.u32 $0x7FFFFFFF, v10;
	v13 =	vnsel vm10, $0x0, v13  }
0x50: {  	s29 =	simm.s32 $0x40;
	v63 =	vld [tilespmem:s21+$0x2020];
	v1 =	vadd.f32 v1, v8;
	v4 =	vnsel vm11, $0x0, v6;
	v5 =	vadd.f32 v13, v5  }
0x51: {  	s30 =	simm.s32 $0x200;
	s24 =	simm.s32 $0x0;
	s22 =	sand.u32 $0x40, s29;
	v9 =	vsel vm9, $0x3F800000, v0;
	v22 =	vadd.f32 v4, v2;
	v4 =	vld [tilespmem:s21+$0x3020];
	v6 =	vsub.f32 v14, v16  }
0x52: {  	s31 =	sand.u32 $0xFFFFFC00, s30;
	s22 =	sor.u32 s22, s24;
	v2 =	vsub.f32 v17, v12;
	vm12 =	vgt.f32 v16, $0.0e+00;
	vm13 =	vgt.f32 v12, $0.0e+00  }
0x53: {  	s21 =	sor.u32 s31, s22;
	v14 =	vsub.f32 v62, v3;
	v16 =	vsel vm13, $0x3F800000, v0;
	vm14 =	vgt.f32 v3, $0.0e+00  }
0x54: {  	v10 =	vld [tilespmem:s21+$0x3030];
	v8 =	vand.u32 $0x7FFFFFFF, v6;
	v6 =	vadd.f32 v9, v7;
	v9 =	vsel vm12, $0x3F800000, v0  }
0x55: {  	v12 =	vand.u32 $0x7FFFFFFF, v2;
	v7 =	vnsel vm12, $0x0, v8;
	v8 =	vld [tilespmem:s21+$0x2030];
	v3 =	vand.u32 $0x7FFFFFFF, v14  }
0x56: {  	v13 =	vld [tilespmem:s21+$0x2000];
	v2 =	vadd.f32 v7, v11;
	v7 =	vnsel vm13, $0x0, v12;
	v12 =	vsub.f32 v63, v4  }
0x57: {  	v17 =	vsel vm14, $0x3F800000, v0;
	v14 =	vld [tilespmem:s21+$0x3000];
	vm15 =	vgt.f32 v4, $0.0e+00;
	v3 =	vnsel vm14, $0x0, v3  }
0x58: {  	v11 =	vld [tilespmem:s21+$0x2010];
	v4 =	vadd.f32 v7, v19;
	v3 =	vadd.f32 v3, v5;
	v19 =	vand.u32 $0x7FFFFFFF, v12  }
0x59: {  	s28 =	simm.s32 $0x0;
	s25 =	simm.s32 $0x0;
	s23 =	simm.s32 $0x80;
	v7 =	vadd.f32 v16, v15;
	v5 =	vadd.f32 v17, v18;
	v12 =	vld [tilespmem:s21+$0x3010];
	v18 =	vnsel vm15, $0x0, v19  }
0x5a: {  	s24 =	simm.s32 $0x3;
	s26 =	sand.u32 $0x40, s23;
	s22 =	simm.s32 $0x400;
	v16 =	vsel vm15, $0x3F800000, v0;
	v15 =	vld [tilespmem:s21+$0x2020];
	v17 =	vsub.f32 v8, v10;
	v8 =	vadd.f32 v18, v22  }
.LBB2_4:
0x5b: {  	p0 =	sne.s32 s24, $0x3F;
	s28 =	ssub.s32 s22, s28;
	s25 =	sshll.u32 s25, $0x7;
	v18 =	vld [tilespmem:s21+$0x3020];
	v1 =	vadd.f32 v16, v1;
	v6 =	vadd.f32 v9, v6  }
0x5c: {  	vm0 =	vgt.f32 v10, $0.0e+00;
	s21 =	sand.u32 $0xFFFFFC00, s28;
	s25 =	sor.u32 s26, s25;
	v13 =	vsub.f32 v13, v14;
	v9 =	vand.u32 $0x7FFFFFFF, v17  }
0x5d: {  	vm1 =	vgt.f32 v14, $0.0e+00;
	s21 =	sor.u32 s21, s25;
	v10 =	vnsel vm0, $0x0, v9;
	v9 =	vsel vm0, $0x3F800000, v0  }
0x5e: {  	v17 =	vld [tilespmem:s21+$0x2030];
	v13 =	vand.u32 $0x7FFFFFFF, v13;
	v11 =	vsub.f32 v11, v12;
	v2 =	vadd.f32 v10, v2  }
0x5f: {  	v20 =	vsel vm1, $0x3F800000, v0;
	vm0 =	vgt.f32 v12, $0.0e+00;
	v10 =	vld [tilespmem:s21+$0x3030];
	v19 =	vnsel vm1, $0x0, v13  }
.Ltmp1:
0x60: {  	v13 =	vld [tilespmem:s21+$0x2000];
	v11 =	vand.u32 $0x7FFFFFFF, v11;
	vm1 =	vgt.f32 v18, $0.0e+00;
	v12 =	vsub.f32 v15, v18;
	(pc) =	sbr.rel @p0 .LBB2_4-.Ltmp1, $4  }
0x61: {  	v18 =	vsel vm0, $0x3F800000, v0;
	v14 =	vld [tilespmem:s21+$0x3000];
	v15 =	vnsel vm0, $0x0, v11;
	v16 =	vsel vm1, $0x3F800000, v0  }
0x62: {  	v4 =	vadd.f32 v19, v4;
	v11 =	vld [tilespmem:s21+$0x2010];
	v3 =	vadd.f32 v15, v3;
	v15 =	vand.u32 $0x7FFFFFFF, v12  }
0x63: {  	s23 =	sadd.s32 $0x40, s23;
	s22 =	sadd.s32 $0x200, s22;
	s25 =	sshrl.u32 s24, $0x3;
	v7 =	vadd.f32 v20, v7;
	v5 =	vadd.f32 v18, v5;
	v12 =	vld [tilespmem:s21+$0x3010];
	v18 =	vnsel vm1, $0x0, v15  }
0x64: {  	s26 =	sand.u32 $0x40, s23;
	s24 =	sadd.s32 $0x1, s24;
	s28 =	sshll.u32 s25, $0xC;
	v15 =	vld [tilespmem:s21+$0x2020];
	v17 =	vsub.f32 v17, v10;
	v8 =	vadd.f32 v18, v8  }
0x65: {  	s22 =	ssub.s32 s22, s28;
	s23 =	sshll.u32 s25, $0x7  }
0x66: {  	s22 =	sand.u32 $0xFFFFFC00, s22;
	s23 =	sor.u32 s26, s23  }
0x67: {  	v18 =	vld [tilespmem:s21+$0x3020];
	s31 =	sor.u32 s22, s23  }
0x68: {  	v41 =	vld [tilespmem:s31+$0x2030]  }
0x69: {  	v1 =	vadd.f32 v16, v1;
	v6 =	vadd.f32 v9, v6;
	v43 =	vld [tilespmem:s31+$0x3030]  }
0x6a: {  	vm0 =	vgt.f32 v10, $0.0e+00;
	v39 =	vsub.f32 v13, v14;
	v40 =	vand.u32 $0x7FFFFFFF, v17;
	v44 =	vld [tilespmem:s31+$0x2000]  }
0x6b: {  	vm1 =	vgt.f32 v14, $0.0e+00;
	v42 =	vsel vm0, $0x3F800000, v0;
	v10 =	vnsel vm0, $0x0, v40;
	v46 =	vld [tilespmem:s31+$0x3000]  }
0x6c: {  	v45 =	vsel vm1, $0x3F800000, v0;
	v6 =	vadd.f32 v42, v6;
	v9 =	vand.u32 $0x7FFFFFFF, v39;
	v47 =	vld [tilespmem:s31+$0x2010]  }
0x6d: {  	v11 =	vsub.f32 v11, v12;
	v2 =	vadd.f32 v10, v2;
	vm10 =	vgt.f32 v12, $0.0e+00;
	v48 =	vld [tilespmem:s31+$0x3010]  }
0x6e: {  	v7 =	vadd.f32 v45, v7;
	v50 =	vld [tilespmem:s31+$0x2020];
	v9 =	vnsel vm1, $0x0, v9;
	v19 =	vsel vm10, $0x3F800000, v0  }
0x6f: {  	v51 =	vld [tilespmem:s31+$0x3020];
	v11 =	vand.u32 $0x7FFFFFFF, v11;
	vm11 =	vgt.f32 v18, $0.0e+00;
	v15 =	vsub.f32 v15, v18  }
0x70: {  	v4 =	vadd.f32 v9, v4;
	v5 =	vadd.f32 v19, v5;
	v11 =	vnsel vm10, $0x0, v11  }
0x71: {  	v52 =	vsel vm11, $0x3F800000, v0;
	v3 =	vadd.f32 v11, v3;
	v49 =	vand.u32 $0x7FFFFFFF, v15  }
0x72: {  	v1 =	vadd.f32 v52, v1;
	v11 =	vnsel vm11, $0x0, v49;
	v13 =	vsub.f32 v41, v43  }
0x73: {  	v10 =	vsub.f32 v44, v46;
	vm12 =	vgt.f32 v43, $0.0e+00;
	vm13 =	vgt.f32 v46, $0.0e+00  }
0x74: {  	v53 =	vsub.f32 v47, v48;
	vm14 =	vgt.f32 v48, $0.0e+00;
	v57 =	vsub.f32 v50, v51  }
0x75: {  	vm15 =	vgt.f32 v51, $0.0e+00;
	v8 =	vadd.f32 v11, v8;
	v55 =	vsel vm13, $0x3F800000, v0  }
0x76: {  	v58 =	vsel vm14, $0x3F800000, v0;
	v60 =	vsel vm15, $0x3F800000, v0;
	v62 =	vsel vm12, $0x3F800000, v0  }
0x77: {  	v10 =	vand.u32 $0x7FFFFFFF, v10;
	v56 =	vand.u32 $0x7FFFFFFF, v53;
	v7 =	vadd.f32 v55, v7  }
0x78: {  	v5 =	vadd.f32 v58, v5;
	v10 =	vnsel vm13, $0x0, v10;
	v9 =	vnsel vm14, $0x0, v56  }
0x79: {  	v59 =	vand.u32 $0x7FFFFFFF, v57;
	v4 =	vadd.f32 v10, v4;
	v3 =	vadd.f32 v9, v3  }
0x7a: {  	v1 =	vadd.f32 v60, v1;
	v9 =	vnsel vm15, $0x0, v59;
	v5 =	vadd.f32 v5, v7  }
0x7b: {  	v54 =	vand.u32 $0x7FFFFFFF, v13;
	v8 =	vadd.f32 v9, v8;
	v3 =	vadd.f32 v3, v4  }
0x7c: {  	v63 =	vadd.f32 v62, v6;
	v61 =	vnsel vm12, $0x0, v54;
	v1 =	vadd.f32 v1, v5  }
0x7d: {  	v2 =	vadd.f32 v61, v2;
	v3 =	vadd.f32 v8, v3  }
0x7e: {  	v1 =	vadd.f32 v63, v1  }
0x7f: {  	v2 =	vadd.f32 v2, v3  }
0x80: {  	[tilespmem:$0x4080] =	vst v1  }
0x81: {  	[tilespmem:$0x4000] =	vst v2  }
0x82: {  	[hbm4b:s5+s2] =	stream.linear.scatter [tilespmem:s17], [sflag:$0x5], $0x80, $0x38;
	[tilespmem:$0x4100] =	vst v63  }
0x83: {  	s20 =	sadd.s32 $0x1, s20;
	_ =	swait.ge [sflag:s18], $0x80  }
0x84: {  	p0 =	sne.s32 s20, s9;
	[sflag:s18] =	ssyncset.done $0x0  }
.Ltmp2:
0x85: {  	[sflag:s18] =	ssyncadd.s32 $0xFFFFFF80;
	(pc) =	sbr.rel @p0 .LBB2_1-.Ltmp2, $4  }
0x86: {  	[hbm4b:s8+s2] =	stream.linear.scatter [tilespmem:s19], [sflag:$0x5], $0x80, $0x38;
	[tilespmem:$0x4100] =	vst v63  }
0x87: {  	_ =	swait.ge [sflag:s18], $0x80  }
0x88: {  	[sflag:s18] =	ssyncset.done $0x0  }
0x89: {  	[sflag:s18] =	ssyncadd.s32 $0xFFFFFF80  }
0x8a: {  	_ =	sfence.sel $0x180000  }
0x8b: {  	[bflag:$0x0] =	sbarrier.arrive $0xFFFF  }
0x8c: {  	p0 =	sne.s32 s0, $0x0;
	_ =	strace $0x90000047  }
0x8d: {  	s0 =	sadd.s32 @!p0 $0x100000, s1;
	[bflag:$0x2] =	sbarrier.arrive $0xFFFF  }
0x8e: {  	[sflag:s0] =	ssyncadd.tile.s32 @!p0 $0x1;
	_ =	shalt  }
.Lfunc_end2:
_tile_overlayer_lowered:
.L_overlay_start_2:
0x8f: {  	(tag) =	ssettag $0x2  }
0x90: {  	s0 =	rddreg [dreg:$0x0];
	s2 =	stileid.u32  }
0x91: {  	s1 =	rddreg [dreg:$0x1];
	p0 =	sne.s32 s2, $0x0  }
0x92: {  	s3 =	rddreg [dreg:$0x2];
	[bflag:$0x3] =	sbarrier.arrive $0xFFFF;
	s2 =	simm.s32 @!p0 $0x1C05  }
0x93: {  	[timem:s3], [sflag:s2] =	dma.local @!p0 [hbm:s0], s1  }
0x94: {  	s0 =	simm.s32 @!p0 $0x5  }
0x95: {  	_ =	swait.ge @!p0 [sflag:s0], s1  }
0x96: {  	s1 =	ssub.s32 @!p0 $0x0, s1;
	[sflag:s0] =	ssyncset.done @!p0 $0x0  }
0x97: {  	[sflag:s0] =	ssyncadd.s32 @!p0 s1  }
0x98: {  	[bflag:$0x3] =	sbarrier.arrive $0xFFFF  }
0x99: {  	_ =	shalt  }

</sc_bundles>
